<compile_context>
chip_gen: v7x
topology: tpu7x:2x2x1
jax: 0.10.2.dev20260603
libtpu: 0.0.44.dev20260713+nightly
codegen_flags: <defaults>
</compile_context>

<pallas_src>
import functools
import jax
import jax.numpy as jnp
from jax import lax
from jax.experimental import pallas as pl
from jax.experimental.pallas import tpu as pltpu
from jax.experimental.pallas import tpu_sc as plsc

S = 64.0
M = 0.4

_NC = 2
_NS = 16
_NW = _NC * _NS
_L = 16

_CH = 10000
_NB = 4


def _sc_fn(B, C):
    rows_pw = B // _NW
    cpr = C // _CH
    nchunks = rows_pw * cpr
    ngroups = nchunks // _NB
    wsize = rows_pw * C
    mesh = plsc.VectorSubcoreMesh(core_axis_name="c", subcore_axis_name="s")

    @functools.partial(
        pl.kernel,
        out_type=jax.ShapeDtypeStruct((B * C,), jnp.float32),
        mesh=mesh,
        compiler_params=pltpu.CompilerParams(needs_layout_passes=False),
        scratch_types=(
            [pltpu.VMEM((_CH,), jnp.float32) for _ in range(_NB)]
            + [pltpu.VMEM((_CH,), jnp.float32) for _ in range(_NB)]
            + [pltpu.VMEM((rows_pw,), jnp.int32)]
            + [pltpu.SemaphoreType.DMA for _ in range(2 * _NB)]
        ),
    )
    def body(cos_hbm, label_hbm, out_hbm, *scratch):
        ibufs = scratch[:_NB]
        obufs = scratch[_NB:2 * _NB]
        lab_v = scratch[2 * _NB]
        isems = scratch[2 * _NB + 1: 2 * _NB + 1 + _NB]
        osems = scratch[2 * _NB + 1 + _NB:]

        wid = lax.axis_index("s") * _NC + lax.axis_index("c")
        wbase = wid * wsize
        pltpu.sync_copy(label_hbm.at[pl.ds(wid * rows_pw, rows_pw)], lab_v)

        lanes = lax.iota(jnp.int32, _L)

        for b in range(_NB):
            pltpu.async_copy(
                cos_hbm.at[pl.ds(wbase + b * _CH, _CH)], ibufs[b], isems[b])

        @pl.loop(0, ngroups)
        def _grp(g):
            k0 = g * _NB
            for b in range(_NB):
                k = k0 + b
                off = wbase + k * _CH
                pltpu.make_async_copy(
                    cos_hbm.at[pl.ds(off, _CH)], ibufs[b], isems[b]).wait()

                @pl.when(g > 0)
                def _():
                    pltpu.make_async_copy(
                        ibufs[b],
                        out_hbm.at[pl.ds(off - _NB * _CH, _CH)],
                        osems[b]).wait()


                row = k // cpr
                q = k - row * cpr
                vb16 = (row // _L) * _L
                lv = lab_v[pl.ds(vb16, _L)]
                lab = jnp.max(jnp.where(lanes == row - vb16, lv, -2))
                j = lab - q * _CH

                @pl.when((j >= 0) & (j < _CH))
                def _():
                    vi16 = (j // _L) * _L
                    sl = pl.ds(vi16, _L)
                    v = obufs[b][sl]
                    obufs[b][sl] = jnp.where(lanes == j - vi16, v - S * M, v)

                pltpu.async_copy(
                    ibufs[b], out_hbm.at[pl.ds(off, _CH)], osems[b])

                @pl.when(g < ngroups - 1)
                def _():
                    pltpu.async_copy(
                        cos_hbm.at[pl.ds(off + _NB * _CH, _CH)],
                        ibufs[b], isems[b])

        for b in range(_NB):
            off = wbase + (nchunks - _NB + b) * _CH
            pltpu.make_async_copy(
                ibufs[b], out_hbm.at[pl.ds(off, _CH)], osems[b]).wait()

    return body


def kernel(cosine, label):
    B, C = cosine.shape
    flat = _sc_fn(B, C)(cosine.reshape(B * C), label)
    return flat.reshape(B, C)

# --- scband reference (transcript-rebuilt; emitter-appended) ---
"""Pipeline reference for scband-cos-face-77927886618787 (READ-ONLY COPY).

The authoritative reference and input builder live on the scoring server;
editing this copy changes nothing except your own understanding.
"""

import jax, jax.numpy as jnp
import numpy as np

S = 64.0
M = 0.4

def setup_inputs(seed: int = 0) -> dict:
    key = jax.random.key(seed)
    k1, k2 = jax.random.split(key)
    cosine = jax.random.normal(k1, (1024, 100000), dtype=jnp.float32)
    label = jax.random.randint(k2, (1024,), 0, 100000, dtype=jnp.int32)
    return {"cosine": cosine, "label": label}

def reference(cosine, label):
    B, C = cosine.shape
    # index = where(label != -1); one_hot[index] = scatter(1, label[index], 1)
    valid = (label != -1)
    rows = jnp.arange(B)
    one_hot = jnp.zeros((B, C), dtype=cosine.dtype)
    # scatter-overwrite: rows with label == -1 write 0.0 (no-op on zeros), matching torch semantics
    one_hot = one_hot.at[rows, jnp.clip(label, 0, C - 1)].set(valid.astype(cosine.dtype))
    ret = S * (one_hot * (cosine - M) + (1.0 - one_hot) * cosine)
    return ret

if __name__ == "__main__":
    import jax
    _d = setup_inputs()
    print(jax.jit(kernel)(*tuple(_d.values())))

</pallas_src>

<mosaic_0001>
#map = affine_map<(d0, d1) -> (0)>
module attributes {stable_mosaic.version = 14 : i64} {
  func.func @body(%arg0: i32, %arg1: i32, %arg2: memref<102400000xf32, #tpu.memory_space<hbm>>, %arg3: memref<1024xi32, #tpu.memory_space<hbm>>, %arg4: memref<102400000xf32, #tpu.memory_space<hbm>>, %arg5: memref<10000xf32, #tpu.memory_space<vmem>>, %arg6: memref<10000xf32, #tpu.memory_space<vmem>>, %arg7: memref<10000xf32, #tpu.memory_space<vmem>>, %arg8: memref<10000xf32, #tpu.memory_space<vmem>>, %arg9: memref<10000xf32, #tpu.memory_space<vmem>>, %arg10: memref<10000xf32, #tpu.memory_space<vmem>>, %arg11: memref<10000xf32, #tpu.memory_space<vmem>>, %arg12: memref<10000xf32, #tpu.memory_space<vmem>>, %arg13: memref<32xi32, #tpu.memory_space<vmem>>, %arg14: memref<!tpu.dma_semaphore, #tpu.memory_space<semaphore_mem>>, %arg15: memref<!tpu.dma_semaphore, #tpu.memory_space<semaphore_mem>>, %arg16: memref<!tpu.dma_semaphore, #tpu.memory_space<semaphore_mem>>, %arg17: memref<!tpu.dma_semaphore, #tpu.memory_space<semaphore_mem>>, %arg18: memref<!tpu.dma_semaphore, #tpu.memory_space<semaphore_mem>>, %arg19: memref<!tpu.dma_semaphore, #tpu.memory_space<semaphore_mem>>, %arg20: memref<!tpu.dma_semaphore, #tpu.memory_space<semaphore_mem>>, %arg21: memref<!tpu.dma_semaphore, #tpu.memory_space<semaphore_mem>>) attributes {dimension_semantics = [#tpu.dimension_semantics<core_parallel>, #tpu.dimension_semantics<subcore_parallel>], iteration_bounds = array<i64: 2, 16>, scalar_prefetch = 0 : i64, scratch_operands = 17 : i64, tpu.core_type = #tpu.core_type<sc_vector_subcore>, window_params = [{transform_indices = #map}, {transform_indices = #map}, {transform_indices = #map}]} {
    %mul3A = arith.constant 2 : i32
    %mul3A_0 = arith.muli %arg1, %mul3A : i32
    %add3A = arith.addi %mul3A_0, %arg0 : i32
    %mul3A_1 = arith.constant 3200000 : i32
    %mul3A_2 = arith.muli %add3A, %mul3A_1 : i32
    %mul3A_3 = arith.constant 32 : i32
    %mul3A_4 = arith.muli %add3A, %mul3A_3 : i32
    "tpu.region"() ({
      %run_scoped3A = tpu.sem_alloc : memref<!tpu.dma_semaphore, #tpu.memory_space<semaphore_mem>>
      %dma_start3A_39 = tpu.memref_slice %arg3[%mul3A_4] : memref<1024xi32, #tpu.memory_space<hbm>> -> memref<32xi32, #tpu.memory_space<hbm>>
      %dma_start3A_40 = tpu.memref_slice %arg3[%mul3A_4] : memref<1024xi32, #tpu.memory_space<hbm>> -> memref<32xi32, #tpu.memory_space<hbm>>
      tpu.enqueue_dma source(%dma_start3A_40 : memref<32xi32, #tpu.memory_space<hbm>>) target(%arg13 : memref<32xi32, #tpu.memory_space<vmem>>) target_semaphore(%run_scoped3A : memref<!tpu.dma_semaphore, #tpu.memory_space<semaphore_mem>>)
      %dma_wait3A_41 = tpu.memref_slice %arg3[%mul3A_4] : memref<1024xi32, #tpu.memory_space<hbm>> -> memref<32xi32, #tpu.memory_space<hbm>>
      %dma_wait3A_42 = tpu.memref_slice %arg3[%mul3A_4] : memref<1024xi32, #tpu.memory_space<hbm>> -> memref<32xi32, #tpu.memory_space<hbm>>
      tpu.wait_dma2 semaphore(%run_scoped3A : memref<!tpu.dma_semaphore, #tpu.memory_space<semaphore_mem>>) src(%dma_wait3A_42 : memref<32xi32, #tpu.memory_space<hbm>>) dst(%arg13 : memref<32xi32, #tpu.memory_space<vmem>>)
      tpu.yield
    }) : () -> ()
    %iota3A = tpu.iota {dimensions = array<i32: 0>} : vector<16xi32>
    %add3A_5 = arith.constant 0 : i32
    %add3A_6 = arith.addi %mul3A_2, %add3A_5 : i32
    %dma_start3A = tpu.memref_slice %arg2[%add3A_6] : memref<102400000xf32, #tpu.memory_space<hbm>> -> memref<10000xf32, #tpu.memory_space<hbm>>
    %dma_start3A_7 = tpu.memref_slice %arg2[%add3A_6] : memref<102400000xf32, #tpu.memory_space<hbm>> -> memref<10000xf32, #tpu.memory_space<hbm>>
    tpu.enqueue_dma source(%dma_start3A_7 : memref<10000xf32, #tpu.memory_space<hbm>>) target(%arg5 : memref<10000xf32, #tpu.memory_space<vmem>>) target_semaphore(%arg14 : memref<!tpu.dma_semaphore, #tpu.memory_space<semaphore_mem>>)
    %add3A_8 = arith.constant 10000 : i32
    %add3A_9 = arith.addi %mul3A_2, %add3A_8 : i32
    %dma_start3A_10 = tpu.memref_slice %arg2[%add3A_9] : memref<102400000xf32, #tpu.memory_space<hbm>> -> memref<10000xf32, #tpu.memory_space<hbm>>
    %dma_start3A_11 = tpu.memref_slice %arg2[%add3A_9] : memref<102400000xf32, #tpu.memory_space<hbm>> -> memref<10000xf32, #tpu.memory_space<hbm>>
    tpu.enqueue_dma source(%dma_start3A_11 : memref<10000xf32, #tpu.memory_space<hbm>>) target(%arg6 : memref<10000xf32, #tpu.memory_space<vmem>>) target_semaphore(%arg15 : memref<!tpu.dma_semaphore, #tpu.memory_space<semaphore_mem>>)
    %add3A_12 = arith.constant 20000 : i32
    %add3A_13 = arith.addi %mul3A_2, %add3A_12 : i32
    %dma_start3A_14 = tpu.memref_slice %arg2[%add3A_13] : memref<102400000xf32, #tpu.memory_space<hbm>> -> memref<10000xf32, #tpu.memory_space<hbm>>
    %dma_start3A_15 = tpu.memref_slice %arg2[%add3A_13] : memref<102400000xf32, #tpu.memory_space<hbm>> -> memref<10000xf32, #tpu.memory_space<hbm>>
    tpu.enqueue_dma source(%dma_start3A_15 : memref<10000xf32, #tpu.memory_space<hbm>>) target(%arg7 : memref<10000xf32, #tpu.memory_space<vmem>>) target_semaphore(%arg16 : memref<!tpu.dma_semaphore, #tpu.memory_space<semaphore_mem>>)
    %add3A_16 = arith.constant 30000 : i32
    %add3A_17 = arith.addi %mul3A_2, %add3A_16 : i32
    %dma_start3A_18 = tpu.memref_slice %arg2[%add3A_17] : memref<102400000xf32, #tpu.memory_space<hbm>> -> memref<10000xf32, #tpu.memory_space<hbm>>
    %dma_start3A_19 = tpu.memref_slice %arg2[%add3A_17] : memref<102400000xf32, #tpu.memory_space<hbm>> -> memref<10000xf32, #tpu.memory_space<hbm>>
    tpu.enqueue_dma source(%dma_start3A_19 : memref<10000xf32, #tpu.memory_space<hbm>>) target(%arg8 : memref<10000xf32, #tpu.memory_space<vmem>>) target_semaphore(%arg17 : memref<!tpu.dma_semaphore, #tpu.memory_space<semaphore_mem>>)
    %scan3A = arith.constant 0 : i32
    %scan3A_20 = arith.constant 80 : i32
    %scan3A_21 = arith.addi %scan3A, %scan3A_20 : i32
    %scan3A_22 = arith.constant 1 : i32
    scf.for %scan3A_39 = %scan3A to %scan3A_21 step %scan3A_22  : i32 {
      %mul3A_40 = arith.constant 1 : i32
      %mul3A_41 = arith.muli %scan3A_39, %mul3A_40 : i32
      %add3A_42 = arith.constant 0 : i32
      %add3A_43 = arith.addi %add3A_42, %mul3A_41 : i32
      %mul3A_44 = arith.constant 4 : i32
      %mul3A_45 = arith.muli %add3A_43, %mul3A_44 : i32
      %add3A_46 = arith.constant 0 : i32
      %add3A_47 = arith.addi %mul3A_45, %add3A_46 : i32
      %mul3A_48 = arith.constant 10000 : i32
      %mul3A_49 = arith.muli %add3A_47, %mul3A_48 : i32
      %add3A_50 = arith.addi %mul3A_2, %mul3A_49 : i32
      %dma_wait3A_51 = tpu.memref_slice %arg2[%add3A_50] : memref<102400000xf32, #tpu.memory_space<hbm>> -> memref<10000xf32, #tpu.memory_space<hbm>>
      %dma_wait3A_52 = tpu.memref_slice %arg2[%add3A_50] : memref<102400000xf32, #tpu.memory_space<hbm>> -> memref<10000xf32, #tpu.memory_space<hbm>>
      tpu.wait_dma2 semaphore(%arg14 : memref<!tpu.dma_semaphore, #tpu.memory_space<semaphore_mem>>) src(%dma_wait3A_52 : memref<10000xf32, #tpu.memory_space<hbm>>) dst(%arg5 : memref<10000xf32, #tpu.memory_space<vmem>>)
      %gt3A = arith.constant 0 : i32
      %gt3A_53 = arith.cmpi sgt, %add3A_43, %gt3A : i32
      %convert_element_type3A = arith.extui %gt3A_53 : i1 to i32
      %cond3A = arith.constant 0 : i32
      %cond3A_54 = arith.cmpi ne, %convert_element_type3A, %cond3A : i32
      scf.if %cond3A_54 {
        %sub3A_425 = arith.constant 40000 : i32
        %sub3A_426 = arith.subi %add3A_50, %sub3A_425 : i32
        %dma_wait3A_427 = tpu.memref_slice %arg4[%sub3A_426] : memref<102400000xf32, #tpu.memory_space<hbm>> -> memref<10000xf32, #tpu.memory_space<hbm>>
        %dma_wait3A_428 = tpu.memref_slice %arg4[%sub3A_426] : memref<102400000xf32, #tpu.memory_space<hbm>> -> memref<10000xf32, #tpu.memory_space<hbm>>
        tpu.wait_dma2 semaphore(%arg18 : memref<!tpu.dma_semaphore, #tpu.memory_space<semaphore_mem>>) src(%arg5 : memref<10000xf32, #tpu.memory_space<vmem>>) dst(%dma_wait3A_428 : memref<10000xf32, #tpu.memory_space<hbm>>)
      } else {
      }
      %jit3A = arith.constant 10 : i32
      %div3A = arith.divsi %add3A_47, %jit3A : i32
      %sign3A = arith.constant 0 : i32
      %sign3A_55 = arith.cmpi sgt, %add3A_47, %sign3A : i32
      %sign3A_56 = arith.extui %sign3A_55 : i1 to i32
      %sign3A_57 = arith.constant 0 : i32
      %sign3A_58 = arith.cmpi slt, %add3A_47, %sign3A_57 : i32
      %sign3A_59 = arith.extui %sign3A_58 : i1 to i32
      %sign3A_60 = arith.subi %sign3A_56, %sign3A_59 : i32
      %sign3A_61 = arith.constant 0 : i32
      %sign3A_62 = arith.cmpi sgt, %jit3A, %sign3A_61 : i32
      %sign3A_63 = arith.extui %sign3A_62 : i1 to i32
      %sign3A_64 = arith.constant 0 : i32
      %sign3A_65 = arith.cmpi slt, %jit3A, %sign3A_64 : i32
      %sign3A_66 = arith.extui %sign3A_65 : i1 to i32
      %sign3A_67 = arith.subi %sign3A_63, %sign3A_66 : i32
      %ne3A = arith.cmpi ne, %sign3A_60, %sign3A_67 : i32
      %rem3A = arith.remsi %add3A_47, %jit3A : i32
      %ne3A_68 = arith.constant 0 : i32
      %ne3A_69 = arith.cmpi ne, %rem3A, %ne3A_68 : i32
      %and3A = arith.andi %ne3A, %ne3A_69 : i1
      %sub3A = arith.constant 1 : i32
      %sub3A_70 = arith.subi %div3A, %sub3A : i32
      %select_n3A = arith.select %and3A, %sub3A_70, %div3A : i32
      %mul3A_71 = arith.constant 10 : i32
      %mul3A_72 = arith.muli %select_n3A, %mul3A_71 : i32
      %sub3A_73 = arith.subi %add3A_47, %mul3A_72 : i32
      %jit3A_74 = arith.constant 16 : i32
      %div3A_75 = arith.divsi %select_n3A, %jit3A_74 : i32
      %sign3A_76 = arith.constant 0 : i32
      %sign3A_77 = arith.cmpi sgt, %select_n3A, %sign3A_76 : i32
      %sign3A_78 = arith.extui %sign3A_77 : i1 to i32
      %sign3A_79 = arith.constant 0 : i32
      %sign3A_80 = arith.cmpi slt, %select_n3A, %sign3A_79 : i32
      %sign3A_81 = arith.extui %sign3A_80 : i1 to i32
      %sign3A_82 = arith.subi %sign3A_78, %sign3A_81 : i32
      %sign3A_83 = arith.constant 0 : i32
      %sign3A_84 = arith.cmpi sgt, %jit3A_74, %sign3A_83 : i32
      %sign3A_85 = arith.extui %sign3A_84 : i1 to i32
      %sign3A_86 = arith.constant 0 : i32
      %sign3A_87 = arith.cmpi slt, %jit3A_74, %sign3A_86 : i32
      %sign3A_88 = arith.extui %sign3A_87 : i1 to i32
      %sign3A_89 = arith.subi %sign3A_85, %sign3A_88 : i32
      %ne3A_90 = arith.cmpi ne, %sign3A_82, %sign3A_89 : i32
      %rem3A_91 = arith.remsi %select_n3A, %jit3A_74 : i32
      %ne3A_92 = arith.constant 0 : i32
      %ne3A_93 = arith.cmpi ne, %rem3A_91, %ne3A_92 : i32
      %and3A_94 = arith.andi %ne3A_90, %ne3A_93 : i1
      %sub3A_95 = arith.constant 1 : i32
      %sub3A_96 = arith.subi %div3A_75, %sub3A_95 : i32
      %select_n3A_97 = arith.select %and3A_94, %sub3A_96, %div3A_75 : i32
      %mul3A_98 = arith.constant 16 : i32
      %mul3A_99 = arith.muli %select_n3A_97, %mul3A_98 : i32
      %get3A = arith.index_cast %mul3A_99 : i32 to index
      %get3A_100 = tpu.vector_load %arg13[%get3A] {strides = array<i32>} : memref<32xi32, #tpu.memory_space<vmem>>, vector<16xi32>,
      %sub3A_101 = arith.subi %select_n3A, %mul3A_99 : i32
      %eq3A = vector.broadcast %sub3A_101 : i32 to vector<16xi32>
      %eq3A_102 = arith.cmpi eq, %iota3A, %eq3A : vector<16xi32>
      %jit3A_103 = arith.constant -2 : i32
      %broadcast_in_dim3A = vector.broadcast %jit3A_103 : i32 to vector<16xi32>
      %select_n3A_104 = arith.select %eq3A_102, %get3A_100, %broadcast_in_dim3A : vector<16xi1>, vector<16xi32>
      %reduce_max3A = arith.constant true
      %reduce_max3A_105 = vector.broadcast %reduce_max3A : i1 to vector<16xi1>
      %reduce_max3A_106 = arith.constant -2147483648 : i32
      %reduce_max3A_107 = vector.broadcast %reduce_max3A_106 : i32 to vector<16xi32>
      %reduce_max3A_108 = arith.xori %select_n3A_104, %reduce_max3A_107 : vector<16xi32>
      %reduce_max3A_109 = tpu.scan <max>, %reduce_max3A_108 masked %reduce_max3A_105 : vector<16xi32>, vector<16xi1> -> vector<16xi32>
      %reduce_max3A_110 = arith.xori %reduce_max3A_109, %reduce_max3A_107 : vector<16xi32>
      %reduce_max3A_111 = vector.extract %reduce_max3A_110[15] : i32 from vector<16xi32>
      %mul3A_112 = arith.constant 10000 : i32
      %mul3A_113 = arith.muli %sub3A_73, %mul3A_112 : i32
      %sub3A_114 = arith.subi %reduce_max3A_111, %mul3A_113 : i32
      %ge3A = arith.constant 0 : i32
      %ge3A_115 = arith.cmpi sge, %sub3A_114, %ge3A : i32
      %lt3A = arith.constant 10000 : i32
      %lt3A_116 = arith.cmpi slt, %sub3A_114, %lt3A : i32
      %and3A_117 = arith.andi %ge3A_115, %lt3A_116 : i1
      %convert_element_type3A_118 = arith.extui %and3A_117 : i1 to i32
      %cond3A_119 = arith.constant 0 : i32
      %cond3A_120 = arith.cmpi ne, %convert_element_type3A_118, %cond3A_119 : i32
      scf.if %cond3A_120 {
        %jit3A_425 = arith.constant 16 : i32
        %div3A_426 = arith.divsi %sub3A_114, %jit3A_425 : i32
        %sign3A_427 = arith.constant 0 : i32
        %sign3A_428 = arith.cmpi sgt, %sub3A_114, %sign3A_427 : i32
        %sign3A_429 = arith.extui %sign3A_428 : i1 to i32
        %sign3A_430 = arith.constant 0 : i32
        %sign3A_431 = arith.cmpi slt, %sub3A_114, %sign3A_430 : i32
        %sign3A_432 = arith.extui %sign3A_431 : i1 to i32
        %sign3A_433 = arith.subi %sign3A_429, %sign3A_432 : i32
        %sign3A_434 = arith.constant 0 : i32
        %sign3A_435 = arith.cmpi sgt, %jit3A_425, %sign3A_434 : i32
        %sign3A_436 = arith.extui %sign3A_435 : i1 to i32
        %sign3A_437 = arith.constant 0 : i32
        %sign3A_438 = arith.cmpi slt, %jit3A_425, %sign3A_437 : i32
        %sign3A_439 = arith.extui %sign3A_438 : i1 to i32
        %sign3A_440 = arith.subi %sign3A_436, %sign3A_439 : i32
        %ne3A_441 = arith.cmpi ne, %sign3A_433, %sign3A_440 : i32
        %rem3A_442 = arith.remsi %sub3A_114, %jit3A_425 : i32
        %ne3A_443 = arith.constant 0 : i32
        %ne3A_444 = arith.cmpi ne, %rem3A_442, %ne3A_443 : i32
        %and3A_445 = arith.andi %ne3A_441, %ne3A_444 : i1
        %sub3A_446 = arith.constant 1 : i32
        %sub3A_447 = arith.subi %div3A_426, %sub3A_446 : i32
        %select_n3A_448 = arith.select %and3A_445, %sub3A_447, %div3A_426 : i32
        %mul3A_449 = arith.constant 16 : i32
        %mul3A_450 = arith.muli %select_n3A_448, %mul3A_449 : i32
        %get3A_451 = arith.index_cast %mul3A_450 : i32 to index
        %get3A_452 = tpu.vector_load %arg9[%get3A_451] {strides = array<i32>} : memref<10000xf32, #tpu.memory_space<vmem>>, vector<16xf32>,
        %sub3A_453 = arith.subi %sub3A_114, %mul3A_450 : i32
        %eq3A_454 = vector.broadcast %sub3A_453 : i32 to vector<16xi32>
        %eq3A_455 = arith.cmpi eq, %iota3A, %eq3A_454 : vector<16xi32>
        %sub3A_456 = arith.constant 2.560000e+01 : f32
        %sub3A_457 = vector.broadcast %sub3A_456 : f32 to vector<16xf32>
        %sub3A_458 = arith.subf %get3A_452, %sub3A_457 : vector<16xf32>
        %select_n3A_459 = arith.select %eq3A_455, %sub3A_458, %get3A_452 : vector<16xi1>, vector<16xf32>
        %swap3A = arith.index_cast %mul3A_450 : i32 to index
        %swap3A_460 = tpu.vector_load %arg9[%swap3A] {strides = array<i32>} : memref<10000xf32, #tpu.memory_space<vmem>>, vector<16xf32>,
        tpu.vector_store %arg9[%swap3A], %select_n3A_459 {strides = array<i32>} : memref<10000xf32, #tpu.memory_space<vmem>>, vector<16xf32>,
      } else {
      }
      %dma_start3A_121 = tpu.memref_slice %arg4[%add3A_50] : memref<102400000xf32, #tpu.memory_space<hbm>> -> memref<10000xf32, #tpu.memory_space<hbm>>
      %dma_start3A_122 = tpu.memref_slice %arg4[%add3A_50] : memref<102400000xf32, #tpu.memory_space<hbm>> -> memref<10000xf32, #tpu.memory_space<hbm>>
      tpu.enqueue_dma source(%arg5 : memref<10000xf32, #tpu.memory_space<vmem>>) target(%dma_start3A_122 : memref<10000xf32, #tpu.memory_space<hbm>>) target_semaphore(%arg18 : memref<!tpu.dma_semaphore, #tpu.memory_space<semaphore_mem>>)
      %lt3A_123 = arith.constant 79 : i32
      %lt3A_124 = arith.cmpi slt, %add3A_43, %lt3A_123 : i32
      %convert_element_type3A_125 = arith.extui %lt3A_124 : i1 to i32
      %cond3A_126 = arith.constant 0 : i32
      %cond3A_127 = arith.cmpi ne, %convert_element_type3A_125, %cond3A_126 : i32
      scf.if %cond3A_127 {
        %add3A_425 = arith.constant 40000 : i32
        %add3A_426 = arith.addi %add3A_50, %add3A_425 : i32
        %dma_start3A_427 = tpu.memref_slice %arg2[%add3A_426] : memref<102400000xf32, #tpu.memory_space<hbm>> -> memref<10000xf32, #tpu.memory_space<hbm>>
        %dma_start3A_428 = tpu.memref_slice %arg2[%add3A_426] : memref<102400000xf32, #tpu.memory_space<hbm>> -> memref<10000xf32, #tpu.memory_space<hbm>>
        tpu.enqueue_dma source(%dma_start3A_428 : memref<10000xf32, #tpu.memory_space<hbm>>) target(%arg5 : memref<10000xf32, #tpu.memory_space<vmem>>) target_semaphore(%arg14 : memref<!tpu.dma_semaphore, #tpu.memory_space<semaphore_mem>>)
      } else {
      }
      %add3A_128 = arith.constant 1 : i32
      %add3A_129 = arith.addi %mul3A_45, %add3A_128 : i32
      %mul3A_130 = arith.constant 10000 : i32
      %mul3A_131 = arith.muli %add3A_129, %mul3A_130 : i32
      %add3A_132 = arith.addi %mul3A_2, %mul3A_131 : i32
      %dma_wait3A_133 = tpu.memref_slice %arg2[%add3A_132] : memref<102400000xf32, #tpu.memory_space<hbm>> -> memref<10000xf32, #tpu.memory_space<hbm>>
      %dma_wait3A_134 = tpu.memref_slice %arg2[%add3A_132] : memref<102400000xf32, #tpu.memory_space<hbm>> -> memref<10000xf32, #tpu.memory_space<hbm>>
      tpu.wait_dma2 semaphore(%arg15 : memref<!tpu.dma_semaphore, #tpu.memory_space<semaphore_mem>>) src(%dma_wait3A_134 : memref<10000xf32, #tpu.memory_space<hbm>>) dst(%arg6 : memref<10000xf32, #tpu.memory_space<vmem>>)
      %gt3A_135 = arith.constant 0 : i32
      %gt3A_136 = arith.cmpi sgt, %add3A_43, %gt3A_135 : i32
      %convert_element_type3A_137 = arith.extui %gt3A_136 : i1 to i32
      %cond3A_138 = arith.constant 0 : i32
      %cond3A_139 = arith.cmpi ne, %convert_element_type3A_137, %cond3A_138 : i32
      scf.if %cond3A_139 {
        %sub3A_425 = arith.constant 40000 : i32
        %sub3A_426 = arith.subi %add3A_132, %sub3A_425 : i32
        %dma_wait3A_427 = tpu.memref_slice %arg4[%sub3A_426] : memref<102400000xf32, #tpu.memory_space<hbm>> -> memref<10000xf32, #tpu.memory_space<hbm>>
        %dma_wait3A_428 = tpu.memref_slice %arg4[%sub3A_426] : memref<102400000xf32, #tpu.memory_space<hbm>> -> memref<10000xf32, #tpu.memory_space<hbm>>
        tpu.wait_dma2 semaphore(%arg19 : memref<!tpu.dma_semaphore, #tpu.memory_space<semaphore_mem>>) src(%arg6 : memref<10000xf32, #tpu.memory_space<vmem>>) dst(%dma_wait3A_428 : memref<10000xf32, #tpu.memory_space<hbm>>)
      } else {
      }
      %jit3A_140 = arith.constant 10 : i32
      %div3A_141 = arith.divsi %add3A_129, %jit3A_140 : i32
      %sign3A_142 = arith.constant 0 : i32
      %sign3A_143 = arith.cmpi sgt, %add3A_129, %sign3A_142 : i32
      %sign3A_144 = arith.extui %sign3A_143 : i1 to i32
      %sign3A_145 = arith.constant 0 : i32
      %sign3A_146 = arith.cmpi slt, %add3A_129, %sign3A_145 : i32
      %sign3A_147 = arith.extui %sign3A_146 : i1 to i32
      %sign3A_148 = arith.subi %sign3A_144, %sign3A_147 : i32
      %sign3A_149 = arith.constant 0 : i32
      %sign3A_150 = arith.cmpi sgt, %jit3A_140, %sign3A_149 : i32
      %sign3A_151 = arith.extui %sign3A_150 : i1 to i32
      %sign3A_152 = arith.constant 0 : i32
      %sign3A_153 = arith.cmpi slt, %jit3A_140, %sign3A_152 : i32
      %sign3A_154 = arith.extui %sign3A_153 : i1 to i32
      %sign3A_155 = arith.subi %sign3A_151, %sign3A_154 : i32
      %ne3A_156 = arith.cmpi ne, %sign3A_148, %sign3A_155 : i32
      %rem3A_157 = arith.remsi %add3A_129, %jit3A_140 : i32
      %ne3A_158 = arith.constant 0 : i32
      %ne3A_159 = arith.cmpi ne, %rem3A_157, %ne3A_158 : i32
      %and3A_160 = arith.andi %ne3A_156, %ne3A_159 : i1
      %sub3A_161 = arith.constant 1 : i32
      %sub3A_162 = arith.subi %div3A_141, %sub3A_161 : i32
      %select_n3A_163 = arith.select %and3A_160, %sub3A_162, %div3A_141 : i32
      %mul3A_164 = arith.constant 10 : i32
      %mul3A_165 = arith.muli %select_n3A_163, %mul3A_164 : i32
      %sub3A_166 = arith.subi %add3A_129, %mul3A_165 : i32
      %jit3A_167 = arith.constant 16 : i32
      %div3A_168 = arith.divsi %select_n3A_163, %jit3A_167 : i32
      %sign3A_169 = arith.constant 0 : i32
      %sign3A_170 = arith.cmpi sgt, %select_n3A_163, %sign3A_169 : i32
      %sign3A_171 = arith.extui %sign3A_170 : i1 to i32
      %sign3A_172 = arith.constant 0 : i32
      %sign3A_173 = arith.cmpi slt, %select_n3A_163, %sign3A_172 : i32
      %sign3A_174 = arith.extui %sign3A_173 : i1 to i32
      %sign3A_175 = arith.subi %sign3A_171, %sign3A_174 : i32
      %sign3A_176 = arith.constant 0 : i32
      %sign3A_177 = arith.cmpi sgt, %jit3A_167, %sign3A_176 : i32
      %sign3A_178 = arith.extui %sign3A_177 : i1 to i32
      %sign3A_179 = arith.constant 0 : i32
      %sign3A_180 = arith.cmpi slt, %jit3A_167, %sign3A_179 : i32
      %sign3A_181 = arith.extui %sign3A_180 : i1 to i32
      %sign3A_182 = arith.subi %sign3A_178, %sign3A_181 : i32
      %ne3A_183 = arith.cmpi ne, %sign3A_175, %sign3A_182 : i32
      %rem3A_184 = arith.remsi %select_n3A_163, %jit3A_167 : i32
      %ne3A_185 = arith.constant 0 : i32
      %ne3A_186 = arith.cmpi ne, %rem3A_184, %ne3A_185 : i32
      %and3A_187 = arith.andi %ne3A_183, %ne3A_186 : i1
      %sub3A_188 = arith.constant 1 : i32
      %sub3A_189 = arith.subi %div3A_168, %sub3A_188 : i32
      %select_n3A_190 = arith.select %and3A_187, %sub3A_189, %div3A_168 : i32
      %mul3A_191 = arith.constant 16 : i32
      %mul3A_192 = arith.muli %select_n3A_190, %mul3A_191 : i32
      %get3A_193 = arith.index_cast %mul3A_192 : i32 to index
      %get3A_194 = tpu.vector_load %arg13[%get3A_193] {strides = array<i32>} : memref<32xi32, #tpu.memory_space<vmem>>, vector<16xi32>,
      %sub3A_195 = arith.subi %select_n3A_163, %mul3A_192 : i32
      %eq3A_196 = vector.broadcast %sub3A_195 : i32 to vector<16xi32>
      %eq3A_197 = arith.cmpi eq, %iota3A, %eq3A_196 : vector<16xi32>
      %jit3A_198 = arith.constant -2 : i32
      %broadcast_in_dim3A_199 = vector.broadcast %jit3A_198 : i32 to vector<16xi32>
      %select_n3A_200 = arith.select %eq3A_197, %get3A_194, %broadcast_in_dim3A_199 : vector<16xi1>, vector<16xi32>
      %reduce_max3A_201 = arith.constant true
      %reduce_max3A_202 = vector.broadcast %reduce_max3A_201 : i1 to vector<16xi1>
      %reduce_max3A_203 = arith.constant -2147483648 : i32
      %reduce_max3A_204 = vector.broadcast %reduce_max3A_203 : i32 to vector<16xi32>
      %reduce_max3A_205 = arith.xori %select_n3A_200, %reduce_max3A_204 : vector<16xi32>
      %reduce_max3A_206 = tpu.scan <max>, %reduce_max3A_205 masked %reduce_max3A_202 : vector<16xi32>, vector<16xi1> -> vector<16xi32>
      %reduce_max3A_207 = arith.xori %reduce_max3A_206, %reduce_max3A_204 : vector<16xi32>
      %reduce_max3A_208 = vector.extract %reduce_max3A_207[15] : i32 from vector<16xi32>
      %mul3A_209 = arith.constant 10000 : i32
      %mul3A_210 = arith.muli %sub3A_166, %mul3A_209 : i32
      %sub3A_211 = arith.subi %reduce_max3A_208, %mul3A_210 : i32
      %ge3A_212 = arith.constant 0 : i32
      %ge3A_213 = arith.cmpi sge, %sub3A_211, %ge3A_212 : i32
      %lt3A_214 = arith.constant 10000 : i32
      %lt3A_215 = arith.cmpi slt, %sub3A_211, %lt3A_214 : i32
      %and3A_216 = arith.andi %ge3A_213, %lt3A_215 : i1
      %convert_element_type3A_217 = arith.extui %and3A_216 : i1 to i32
      %cond3A_218 = arith.constant 0 : i32
      %cond3A_219 = arith.cmpi ne, %convert_element_type3A_217, %cond3A_218 : i32
      scf.if %cond3A_219 {
        %jit3A_425 = arith.constant 16 : i32
        %div3A_426 = arith.divsi %sub3A_211, %jit3A_425 : i32
        %sign3A_427 = arith.constant 0 : i32
        %sign3A_428 = arith.cmpi sgt, %sub3A_211, %sign3A_427 : i32
        %sign3A_429 = arith.extui %sign3A_428 : i1 to i32
        %sign3A_430 = arith.constant 0 : i32
        %sign3A_431 = arith.cmpi slt, %sub3A_211, %sign3A_430 : i32
        %sign3A_432 = arith.extui %sign3A_431 : i1 to i32
        %sign3A_433 = arith.subi %sign3A_429, %sign3A_432 : i32
        %sign3A_434 = arith.constant 0 : i32
        %sign3A_435 = arith.cmpi sgt, %jit3A_425, %sign3A_434 : i32
        %sign3A_436 = arith.extui %sign3A_435 : i1 to i32
        %sign3A_437 = arith.constant 0 : i32
        %sign3A_438 = arith.cmpi slt, %jit3A_425, %sign3A_437 : i32
        %sign3A_439 = arith.extui %sign3A_438 : i1 to i32
        %sign3A_440 = arith.subi %sign3A_436, %sign3A_439 : i32
        %ne3A_441 = arith.cmpi ne, %sign3A_433, %sign3A_440 : i32
        %rem3A_442 = arith.remsi %sub3A_211, %jit3A_425 : i32
        %ne3A_443 = arith.constant 0 : i32
        %ne3A_444 = arith.cmpi ne, %rem3A_442, %ne3A_443 : i32
        %and3A_445 = arith.andi %ne3A_441, %ne3A_444 : i1
        %sub3A_446 = arith.constant 1 : i32
        %sub3A_447 = arith.subi %div3A_426, %sub3A_446 : i32
        %select_n3A_448 = arith.select %and3A_445, %sub3A_447, %div3A_426 : i32
        %mul3A_449 = arith.constant 16 : i32
        %mul3A_450 = arith.muli %select_n3A_448, %mul3A_449 : i32
        %get3A_451 = arith.index_cast %mul3A_450 : i32 to index
        %get3A_452 = tpu.vector_load %arg10[%get3A_451] {strides = array<i32>} : memref<10000xf32, #tpu.memory_space<vmem>>, vector<16xf32>,
        %sub3A_453 = arith.subi %sub3A_211, %mul3A_450 : i32
        %eq3A_454 = vector.broadcast %sub3A_453 : i32 to vector<16xi32>
        %eq3A_455 = arith.cmpi eq, %iota3A, %eq3A_454 : vector<16xi32>
        %sub3A_456 = arith.constant 2.560000e+01 : f32
        %sub3A_457 = vector.broadcast %sub3A_456 : f32 to vector<16xf32>
        %sub3A_458 = arith.subf %get3A_452, %sub3A_457 : vector<16xf32>
        %select_n3A_459 = arith.select %eq3A_455, %sub3A_458, %get3A_452 : vector<16xi1>, vector<16xf32>
        %swap3A = arith.index_cast %mul3A_450 : i32 to index
        %swap3A_460 = tpu.vector_load %arg10[%swap3A] {strides = array<i32>} : memref<10000xf32, #tpu.memory_space<vmem>>, vector<16xf32>,
        tpu.vector_store %arg10[%swap3A], %select_n3A_459 {strides = array<i32>} : memref<10000xf32, #tpu.memory_space<vmem>>, vector<16xf32>,
      } else {
      }
      %dma_start3A_220 = tpu.memref_slice %arg4[%add3A_132] : memref<102400000xf32, #tpu.memory_space<hbm>> -> memref<10000xf32, #tpu.memory_space<hbm>>
      %dma_start3A_221 = tpu.memref_slice %arg4[%add3A_132] : memref<102400000xf32, #tpu.memory_space<hbm>> -> memref<10000xf32, #tpu.memory_space<hbm>>
      tpu.enqueue_dma source(%arg6 : memref<10000xf32, #tpu.memory_space<vmem>>) target(%dma_start3A_221 : memref<10000xf32, #tpu.memory_space<hbm>>) target_semaphore(%arg19 : memref<!tpu.dma_semaphore, #tpu.memory_space<semaphore_mem>>)
      %lt3A_222 = arith.constant 79 : i32
      %lt3A_223 = arith.cmpi slt, %add3A_43, %lt3A_222 : i32
      %convert_element_type3A_224 = arith.extui %lt3A_223 : i1 to i32
      %cond3A_225 = arith.constant 0 : i32
      %cond3A_226 = arith.cmpi ne, %convert_element_type3A_224, %cond3A_225 : i32
      scf.if %cond3A_226 {
        %add3A_425 = arith.constant 40000 : i32
        %add3A_426 = arith.addi %add3A_132, %add3A_425 : i32
        %dma_start3A_427 = tpu.memref_slice %arg2[%add3A_426] : memref<102400000xf32, #tpu.memory_space<hbm>> -> memref<10000xf32, #tpu.memory_space<hbm>>
        %dma_start3A_428 = tpu.memref_slice %arg2[%add3A_426] : memref<102400000xf32, #tpu.memory_space<hbm>> -> memref<10000xf32, #tpu.memory_space<hbm>>
        tpu.enqueue_dma source(%dma_start3A_428 : memref<10000xf32, #tpu.memory_space<hbm>>) target(%arg6 : memref<10000xf32, #tpu.memory_space<vmem>>) target_semaphore(%arg15 : memref<!tpu.dma_semaphore, #tpu.memory_space<semaphore_mem>>)
      } else {
      }
      %add3A_227 = arith.constant 2 : i32
      %add3A_228 = arith.addi %mul3A_45, %add3A_227 : i32
      %mul3A_229 = arith.constant 10000 : i32
      %mul3A_230 = arith.muli %add3A_228, %mul3A_229 : i32
      %add3A_231 = arith.addi %mul3A_2, %mul3A_230 : i32
      %dma_wait3A_232 = tpu.memref_slice %arg2[%add3A_231] : memref<102400000xf32, #tpu.memory_space<hbm>> -> memref<10000xf32, #tpu.memory_space<hbm>>
      %dma_wait3A_233 = tpu.memref_slice %arg2[%add3A_231] : memref<102400000xf32, #tpu.memory_space<hbm>> -> memref<10000xf32, #tpu.memory_space<hbm>>
      tpu.wait_dma2 semaphore(%arg16 : memref<!tpu.dma_semaphore, #tpu.memory_space<semaphore_mem>>) src(%dma_wait3A_233 : memref<10000xf32, #tpu.memory_space<hbm>>) dst(%arg7 : memref<10000xf32, #tpu.memory_space<vmem>>)
      %gt3A_234 = arith.constant 0 : i32
      %gt3A_235 = arith.cmpi sgt, %add3A_43, %gt3A_234 : i32
      %convert_element_type3A_236 = arith.extui %gt3A_235 : i1 to i32
      %cond3A_237 = arith.constant 0 : i32
      %cond3A_238 = arith.cmpi ne, %convert_element_type3A_236, %cond3A_237 : i32
      scf.if %cond3A_238 {
        %sub3A_425 = arith.constant 40000 : i32
        %sub3A_426 = arith.subi %add3A_231, %sub3A_425 : i32
        %dma_wait3A_427 = tpu.memref_slice %arg4[%sub3A_426] : memref<102400000xf32, #tpu.memory_space<hbm>> -> memref<10000xf32, #tpu.memory_space<hbm>>
        %dma_wait3A_428 = tpu.memref_slice %arg4[%sub3A_426] : memref<102400000xf32, #tpu.memory_space<hbm>> -> memref<10000xf32, #tpu.memory_space<hbm>>
        tpu.wait_dma2 semaphore(%arg20 : memref<!tpu.dma_semaphore, #tpu.memory_space<semaphore_mem>>) src(%arg7 : memref<10000xf32, #tpu.memory_space<vmem>>) dst(%dma_wait3A_428 : memref<10000xf32, #tpu.memory_space<hbm>>)
      } else {
      }
      %jit3A_239 = arith.constant 10 : i32
      %div3A_240 = arith.divsi %add3A_228, %jit3A_239 : i32
      %sign3A_241 = arith.constant 0 : i32
      %sign3A_242 = arith.cmpi sgt, %add3A_228, %sign3A_241 : i32
      %sign3A_243 = arith.extui %sign3A_242 : i1 to i32
      %sign3A_244 = arith.constant 0 : i32
      %sign3A_245 = arith.cmpi slt, %add3A_228, %sign3A_244 : i32
      %sign3A_246 = arith.extui %sign3A_245 : i1 to i32
      %sign3A_247 = arith.subi %sign3A_243, %sign3A_246 : i32
      %sign3A_248 = arith.constant 0 : i32
      %sign3A_249 = arith.cmpi sgt, %jit3A_239, %sign3A_248 : i32
      %sign3A_250 = arith.extui %sign3A_249 : i1 to i32
      %sign3A_251 = arith.constant 0 : i32
      %sign3A_252 = arith.cmpi slt, %jit3A_239, %sign3A_251 : i32
      %sign3A_253 = arith.extui %sign3A_252 : i1 to i32
      %sign3A_254 = arith.subi %sign3A_250, %sign3A_253 : i32
      %ne3A_255 = arith.cmpi ne, %sign3A_247, %sign3A_254 : i32
      %rem3A_256 = arith.remsi %add3A_228, %jit3A_239 : i32
      %ne3A_257 = arith.constant 0 : i32
      %ne3A_258 = arith.cmpi ne, %rem3A_256, %ne3A_257 : i32
      %and3A_259 = arith.andi %ne3A_255, %ne3A_258 : i1
      %sub3A_260 = arith.constant 1 : i32
      %sub3A_261 = arith.subi %div3A_240, %sub3A_260 : i32
      %select_n3A_262 = arith.select %and3A_259, %sub3A_261, %div3A_240 : i32
      %mul3A_263 = arith.constant 10 : i32
      %mul3A_264 = arith.muli %select_n3A_262, %mul3A_263 : i32
      %sub3A_265 = arith.subi %add3A_228, %mul3A_264 : i32
      %jit3A_266 = arith.constant 16 : i32
      %div3A_267 = arith.divsi %select_n3A_262, %jit3A_266 : i32
      %sign3A_268 = arith.constant 0 : i32
      %sign3A_269 = arith.cmpi sgt, %select_n3A_262, %sign3A_268 : i32
      %sign3A_270 = arith.extui %sign3A_269 : i1 to i32
      %sign3A_271 = arith.constant 0 : i32
      %sign3A_272 = arith.cmpi slt, %select_n3A_262, %sign3A_271 : i32
      %sign3A_273 = arith.extui %sign3A_272 : i1 to i32
      %sign3A_274 = arith.subi %sign3A_270, %sign3A_273 : i32
      %sign3A_275 = arith.constant 0 : i32
      %sign3A_276 = arith.cmpi sgt, %jit3A_266, %sign3A_275 : i32
      %sign3A_277 = arith.extui %sign3A_276 : i1 to i32
      %sign3A_278 = arith.constant 0 : i32
      %sign3A_279 = arith.cmpi slt, %jit3A_266, %sign3A_278 : i32
      %sign3A_280 = arith.extui %sign3A_279 : i1 to i32
      %sign3A_281 = arith.subi %sign3A_277, %sign3A_280 : i32
      %ne3A_282 = arith.cmpi ne, %sign3A_274, %sign3A_281 : i32
      %rem3A_283 = arith.remsi %select_n3A_262, %jit3A_266 : i32
      %ne3A_284 = arith.constant 0 : i32
      %ne3A_285 = arith.cmpi ne, %rem3A_283, %ne3A_284 : i32
      %and3A_286 = arith.andi %ne3A_282, %ne3A_285 : i1
      %sub3A_287 = arith.constant 1 : i32
      %sub3A_288 = arith.subi %div3A_267, %sub3A_287 : i32
      %select_n3A_289 = arith.select %and3A_286, %sub3A_288, %div3A_267 : i32
      %mul3A_290 = arith.constant 16 : i32
      %mul3A_291 = arith.muli %select_n3A_289, %mul3A_290 : i32
      %get3A_292 = arith.index_cast %mul3A_291 : i32 to index
      %get3A_293 = tpu.vector_load %arg13[%get3A_292] {strides = array<i32>} : memref<32xi32, #tpu.memory_space<vmem>>, vector<16xi32>,
      %sub3A_294 = arith.subi %select_n3A_262, %mul3A_291 : i32
      %eq3A_295 = vector.broadcast %sub3A_294 : i32 to vector<16xi32>
      %eq3A_296 = arith.cmpi eq, %iota3A, %eq3A_295 : vector<16xi32>
      %jit3A_297 = arith.constant -2 : i32
      %broadcast_in_dim3A_298 = vector.broadcast %jit3A_297 : i32 to vector<16xi32>
      %select_n3A_299 = arith.select %eq3A_296, %get3A_293, %broadcast_in_dim3A_298 : vector<16xi1>, vector<16xi32>
      %reduce_max3A_300 = arith.constant true
      %reduce_max3A_301 = vector.broadcast %reduce_max3A_300 : i1 to vector<16xi1>
      %reduce_max3A_302 = arith.constant -2147483648 : i32
      %reduce_max3A_303 = vector.broadcast %reduce_max3A_302 : i32 to vector<16xi32>
      %reduce_max3A_304 = arith.xori %select_n3A_299, %reduce_max3A_303 : vector<16xi32>
      %reduce_max3A_305 = tpu.scan <max>, %reduce_max3A_304 masked %reduce_max3A_301 : vector<16xi32>, vector<16xi1> -> vector<16xi32>
      %reduce_max3A_306 = arith.xori %reduce_max3A_305, %reduce_max3A_303 : vector<16xi32>
      %reduce_max3A_307 = vector.extract %reduce_max3A_306[15] : i32 from vector<16xi32>
      %mul3A_308 = arith.constant 10000 : i32
      %mul3A_309 = arith.muli %sub3A_265, %mul3A_308 : i32
      %sub3A_310 = arith.subi %reduce_max3A_307, %mul3A_309 : i32
      %ge3A_311 = arith.constant 0 : i32
      %ge3A_312 = arith.cmpi sge, %sub3A_310, %ge3A_311 : i32
      %lt3A_313 = arith.constant 10000 : i32
      %lt3A_314 = arith.cmpi slt, %sub3A_310, %lt3A_313 : i32
      %and3A_315 = arith.andi %ge3A_312, %lt3A_314 : i1
      %convert_element_type3A_316 = arith.extui %and3A_315 : i1 to i32
      %cond3A_317 = arith.constant 0 : i32
      %cond3A_318 = arith.cmpi ne, %convert_element_type3A_316, %cond3A_317 : i32
      scf.if %cond3A_318 {
        %jit3A_425 = arith.constant 16 : i32
        %div3A_426 = arith.divsi %sub3A_310, %jit3A_425 : i32
        %sign3A_427 = arith.constant 0 : i32
        %sign3A_428 = arith.cmpi sgt, %sub3A_310, %sign3A_427 : i32
        %sign3A_429 = arith.extui %sign3A_428 : i1 to i32
        %sign3A_430 = arith.constant 0 : i32
        %sign3A_431 = arith.cmpi slt, %sub3A_310, %sign3A_430 : i32
        %sign3A_432 = arith.extui %sign3A_431 : i1 to i32
        %sign3A_433 = arith.subi %sign3A_429, %sign3A_432 : i32
        %sign3A_434 = arith.constant 0 : i32
        %sign3A_435 = arith.cmpi sgt, %jit3A_425, %sign3A_434 : i32
        %sign3A_436 = arith.extui %sign3A_435 : i1 to i32
        %sign3A_437 = arith.constant 0 : i32
        %sign3A_438 = arith.cmpi slt, %jit3A_425, %sign3A_437 : i32
        %sign3A_439 = arith.extui %sign3A_438 : i1 to i32
        %sign3A_440 = arith.subi %sign3A_436, %sign3A_439 : i32
        %ne3A_441 = arith.cmpi ne, %sign3A_433, %sign3A_440 : i32
        %rem3A_442 = arith.remsi %sub3A_310, %jit3A_425 : i32
        %ne3A_443 = arith.constant 0 : i32
        %ne3A_444 = arith.cmpi ne, %rem3A_442, %ne3A_443 : i32
        %and3A_445 = arith.andi %ne3A_441, %ne3A_444 : i1
        %sub3A_446 = arith.constant 1 : i32
        %sub3A_447 = arith.subi %div3A_426, %sub3A_446 : i32
        %select_n3A_448 = arith.select %and3A_445, %sub3A_447, %div3A_426 : i32
        %mul3A_449 = arith.constant 16 : i32
        %mul3A_450 = arith.muli %select_n3A_448, %mul3A_449 : i32
        %get3A_451 = arith.index_cast %mul3A_450 : i32 to index
        %get3A_452 = tpu.vector_load %arg11[%get3A_451] {strides = array<i32>} : memref<10000xf32, #tpu.memory_space<vmem>>, vector<16xf32>,
        %sub3A_453 = arith.subi %sub3A_310, %mul3A_450 : i32
        %eq3A_454 = vector.broadcast %sub3A_453 : i32 to vector<16xi32>
        %eq3A_455 = arith.cmpi eq, %iota3A, %eq3A_454 : vector<16xi32>
        %sub3A_456 = arith.constant 2.560000e+01 : f32
        %sub3A_457 = vector.broadcast %sub3A_456 : f32 to vector<16xf32>
        %sub3A_458 = arith.subf %get3A_452, %sub3A_457 : vector<16xf32>
        %select_n3A_459 = arith.select %eq3A_455, %sub3A_458, %get3A_452 : vector<16xi1>, vector<16xf32>
        %swap3A = arith.index_cast %mul3A_450 : i32 to index
        %swap3A_460 = tpu.vector_load %arg11[%swap3A] {strides = array<i32>} : memref<10000xf32, #tpu.memory_space<vmem>>, vector<16xf32>,
        tpu.vector_store %arg11[%swap3A], %select_n3A_459 {strides = array<i32>} : memref<10000xf32, #tpu.memory_space<vmem>>, vector<16xf32>,
      } else {
      }
      %dma_start3A_319 = tpu.memref_slice %arg4[%add3A_231] : memref<102400000xf32, #tpu.memory_space<hbm>> -> memref<10000xf32, #tpu.memory_space<hbm>>
      %dma_start3A_320 = tpu.memref_slice %arg4[%add3A_231] : memref<102400000xf32, #tpu.memory_space<hbm>> -> memref<10000xf32, #tpu.memory_space<hbm>>
      tpu.enqueue_dma source(%arg7 : memref<10000xf32, #tpu.memory_space<vmem>>) target(%dma_start3A_320 : memref<10000xf32, #tpu.memory_space<hbm>>) target_semaphore(%arg20 : memref<!tpu.dma_semaphore, #tpu.memory_space<semaphore_mem>>)
      %lt3A_321 = arith.constant 79 : i32
      %lt3A_322 = arith.cmpi slt, %add3A_43, %lt3A_321 : i32
      %convert_element_type3A_323 = arith.extui %lt3A_322 : i1 to i32
      %cond3A_324 = arith.constant 0 : i32
      %cond3A_325 = arith.cmpi ne, %convert_element_type3A_323, %cond3A_324 : i32
      scf.if %cond3A_325 {
        %add3A_425 = arith.constant 40000 : i32
        %add3A_426 = arith.addi %add3A_231, %add3A_425 : i32
        %dma_start3A_427 = tpu.memref_slice %arg2[%add3A_426] : memref<102400000xf32, #tpu.memory_space<hbm>> -> memref<10000xf32, #tpu.memory_space<hbm>>
        %dma_start3A_428 = tpu.memref_slice %arg2[%add3A_426] : memref<102400000xf32, #tpu.memory_space<hbm>> -> memref<10000xf32, #tpu.memory_space<hbm>>
        tpu.enqueue_dma source(%dma_start3A_428 : memref<10000xf32, #tpu.memory_space<hbm>>) target(%arg7 : memref<10000xf32, #tpu.memory_space<vmem>>) target_semaphore(%arg16 : memref<!tpu.dma_semaphore, #tpu.memory_space<semaphore_mem>>)
      } else {
      }
      %add3A_326 = arith.constant 3 : i32
      %add3A_327 = arith.addi %mul3A_45, %add3A_326 : i32
      %mul3A_328 = arith.constant 10000 : i32
      %mul3A_329 = arith.muli %add3A_327, %mul3A_328 : i32
      %add3A_330 = arith.addi %mul3A_2, %mul3A_329 : i32
      %dma_wait3A_331 = tpu.memref_slice %arg2[%add3A_330] : memref<102400000xf32, #tpu.memory_space<hbm>> -> memref<10000xf32, #tpu.memory_space<hbm>>
      %dma_wait3A_332 = tpu.memref_slice %arg2[%add3A_330] : memref<102400000xf32, #tpu.memory_space<hbm>> -> memref<10000xf32, #tpu.memory_space<hbm>>
      tpu.wait_dma2 semaphore(%arg17 : memref<!tpu.dma_semaphore, #tpu.memory_space<semaphore_mem>>) src(%dma_wait3A_332 : memref<10000xf32, #tpu.memory_space<hbm>>) dst(%arg8 : memref<10000xf32, #tpu.memory_space<vmem>>)
      %gt3A_333 = arith.constant 0 : i32
      %gt3A_334 = arith.cmpi sgt, %add3A_43, %gt3A_333 : i32
      %convert_element_type3A_335 = arith.extui %gt3A_334 : i1 to i32
      %cond3A_336 = arith.constant 0 : i32
      %cond3A_337 = arith.cmpi ne, %convert_element_type3A_335, %cond3A_336 : i32
      scf.if %cond3A_337 {
        %sub3A_425 = arith.constant 40000 : i32
        %sub3A_426 = arith.subi %add3A_330, %sub3A_425 : i32
        %dma_wait3A_427 = tpu.memref_slice %arg4[%sub3A_426] : memref<102400000xf32, #tpu.memory_space<hbm>> -> memref<10000xf32, #tpu.memory_space<hbm>>
        %dma_wait3A_428 = tpu.memref_slice %arg4[%sub3A_426] : memref<102400000xf32, #tpu.memory_space<hbm>> -> memref<10000xf32, #tpu.memory_space<hbm>>
        tpu.wait_dma2 semaphore(%arg21 : memref<!tpu.dma_semaphore, #tpu.memory_space<semaphore_mem>>) src(%arg8 : memref<10000xf32, #tpu.memory_space<vmem>>) dst(%dma_wait3A_428 : memref<10000xf32, #tpu.memory_space<hbm>>)
      } else {
      }
      %jit3A_338 = arith.constant 10 : i32
      %div3A_339 = arith.divsi %add3A_327, %jit3A_338 : i32
      %sign3A_340 = arith.constant 0 : i32
      %sign3A_341 = arith.cmpi sgt, %add3A_327, %sign3A_340 : i32
      %sign3A_342 = arith.extui %sign3A_341 : i1 to i32
      %sign3A_343 = arith.constant 0 : i32
      %sign3A_344 = arith.cmpi slt, %add3A_327, %sign3A_343 : i32
      %sign3A_345 = arith.extui %sign3A_344 : i1 to i32
      %sign3A_346 = arith.subi %sign3A_342, %sign3A_345 : i32
      %sign3A_347 = arith.constant 0 : i32
      %sign3A_348 = arith.cmpi sgt, %jit3A_338, %sign3A_347 : i32
      %sign3A_349 = arith.extui %sign3A_348 : i1 to i32
      %sign3A_350 = arith.constant 0 : i32
      %sign3A_351 = arith.cmpi slt, %jit3A_338, %sign3A_350 : i32
      %sign3A_352 = arith.extui %sign3A_351 : i1 to i32
      %sign3A_353 = arith.subi %sign3A_349, %sign3A_352 : i32
      %ne3A_354 = arith.cmpi ne, %sign3A_346, %sign3A_353 : i32
      %rem3A_355 = arith.remsi %add3A_327, %jit3A_338 : i32
      %ne3A_356 = arith.constant 0 : i32
      %ne3A_357 = arith.cmpi ne, %rem3A_355, %ne3A_356 : i32
      %and3A_358 = arith.andi %ne3A_354, %ne3A_357 : i1
      %sub3A_359 = arith.constant 1 : i32
      %sub3A_360 = arith.subi %div3A_339, %sub3A_359 : i32
      %select_n3A_361 = arith.select %and3A_358, %sub3A_360, %div3A_339 : i32
      %mul3A_362 = arith.constant 10 : i32
      %mul3A_363 = arith.muli %select_n3A_361, %mul3A_362 : i32
      %sub3A_364 = arith.subi %add3A_327, %mul3A_363 : i32
      %jit3A_365 = arith.constant 16 : i32
      %div3A_366 = arith.divsi %select_n3A_361, %jit3A_365 : i32
      %sign3A_367 = arith.constant 0 : i32
      %sign3A_368 = arith.cmpi sgt, %select_n3A_361, %sign3A_367 : i32
      %sign3A_369 = arith.extui %sign3A_368 : i1 to i32
      %sign3A_370 = arith.constant 0 : i32
      %sign3A_371 = arith.cmpi slt, %select_n3A_361, %sign3A_370 : i32
      %sign3A_372 = arith.extui %sign3A_371 : i1 to i32
      %sign3A_373 = arith.subi %sign3A_369, %sign3A_372 : i32
      %sign3A_374 = arith.constant 0 : i32
      %sign3A_375 = arith.cmpi sgt, %jit3A_365, %sign3A_374 : i32
      %sign3A_376 = arith.extui %sign3A_375 : i1 to i32
      %sign3A_377 = arith.constant 0 : i32
      %sign3A_378 = arith.cmpi slt, %jit3A_365, %sign3A_377 : i32
      %sign3A_379 = arith.extui %sign3A_378 : i1 to i32
      %sign3A_380 = arith.subi %sign3A_376, %sign3A_379 : i32
      %ne3A_381 = arith.cmpi ne, %sign3A_373, %sign3A_380 : i32
      %rem3A_382 = arith.remsi %select_n3A_361, %jit3A_365 : i32
      %ne3A_383 = arith.constant 0 : i32
      %ne3A_384 = arith.cmpi ne, %rem3A_382, %ne3A_383 : i32
      %and3A_385 = arith.andi %ne3A_381, %ne3A_384 : i1
      %sub3A_386 = arith.constant 1 : i32
      %sub3A_387 = arith.subi %div3A_366, %sub3A_386 : i32
      %select_n3A_388 = arith.select %and3A_385, %sub3A_387, %div3A_366 : i32
      %mul3A_389 = arith.constant 16 : i32
      %mul3A_390 = arith.muli %select_n3A_388, %mul3A_389 : i32
      %get3A_391 = arith.index_cast %mul3A_390 : i32 to index
      %get3A_392 = tpu.vector_load %arg13[%get3A_391] {strides = array<i32>} : memref<32xi32, #tpu.memory_space<vmem>>, vector<16xi32>,
      %sub3A_393 = arith.subi %select_n3A_361, %mul3A_390 : i32
      %eq3A_394 = vector.broadcast %sub3A_393 : i32 to vector<16xi32>
      %eq3A_395 = arith.cmpi eq, %iota3A, %eq3A_394 : vector<16xi32>
      %jit3A_396 = arith.constant -2 : i32
      %broadcast_in_dim3A_397 = vector.broadcast %jit3A_396 : i32 to vector<16xi32>
      %select_n3A_398 = arith.select %eq3A_395, %get3A_392, %broadcast_in_dim3A_397 : vector<16xi1>, vector<16xi32>
      %reduce_max3A_399 = arith.constant true
      %reduce_max3A_400 = vector.broadcast %reduce_max3A_399 : i1 to vector<16xi1>
      %reduce_max3A_401 = arith.constant -2147483648 : i32
      %reduce_max3A_402 = vector.broadcast %reduce_max3A_401 : i32 to vector<16xi32>
      %reduce_max3A_403 = arith.xori %select_n3A_398, %reduce_max3A_402 : vector<16xi32>
      %reduce_max3A_404 = tpu.scan <max>, %reduce_max3A_403 masked %reduce_max3A_400 : vector<16xi32>, vector<16xi1> -> vector<16xi32>
      %reduce_max3A_405 = arith.xori %reduce_max3A_404, %reduce_max3A_402 : vector<16xi32>
      %reduce_max3A_406 = vector.extract %reduce_max3A_405[15] : i32 from vector<16xi32>
      %mul3A_407 = arith.constant 10000 : i32
      %mul3A_408 = arith.muli %sub3A_364, %mul3A_407 : i32
      %sub3A_409 = arith.subi %reduce_max3A_406, %mul3A_408 : i32
      %ge3A_410 = arith.constant 0 : i32
      %ge3A_411 = arith.cmpi sge, %sub3A_409, %ge3A_410 : i32
      %lt3A_412 = arith.constant 10000 : i32
      %lt3A_413 = arith.cmpi slt, %sub3A_409, %lt3A_412 : i32
      %and3A_414 = arith.andi %ge3A_411, %lt3A_413 : i1
      %convert_element_type3A_415 = arith.extui %and3A_414 : i1 to i32
      %cond3A_416 = arith.constant 0 : i32
      %cond3A_417 = arith.cmpi ne, %convert_element_type3A_415, %cond3A_416 : i32
      scf.if %cond3A_417 {
        %jit3A_425 = arith.constant 16 : i32
        %div3A_426 = arith.divsi %sub3A_409, %jit3A_425 : i32
        %sign3A_427 = arith.constant 0 : i32
        %sign3A_428 = arith.cmpi sgt, %sub3A_409, %sign3A_427 : i32
        %sign3A_429 = arith.extui %sign3A_428 : i1 to i32
        %sign3A_430 = arith.constant 0 : i32
        %sign3A_431 = arith.cmpi slt, %sub3A_409, %sign3A_430 : i32
        %sign3A_432 = arith.extui %sign3A_431 : i1 to i32
        %sign3A_433 = arith.subi %sign3A_429, %sign3A_432 : i32
        %sign3A_434 = arith.constant 0 : i32
        %sign3A_435 = arith.cmpi sgt, %jit3A_425, %sign3A_434 : i32
        %sign3A_436 = arith.extui %sign3A_435 : i1 to i32
        %sign3A_437 = arith.constant 0 : i32
        %sign3A_438 = arith.cmpi slt, %jit3A_425, %sign3A_437 : i32
        %sign3A_439 = arith.extui %sign3A_438 : i1 to i32
        %sign3A_440 = arith.subi %sign3A_436, %sign3A_439 : i32
        %ne3A_441 = arith.cmpi ne, %sign3A_433, %sign3A_440 : i32
        %rem3A_442 = arith.remsi %sub3A_409, %jit3A_425 : i32
        %ne3A_443 = arith.constant 0 : i32
        %ne3A_444 = arith.cmpi ne, %rem3A_442, %ne3A_443 : i32
        %and3A_445 = arith.andi %ne3A_441, %ne3A_444 : i1
        %sub3A_446 = arith.constant 1 : i32
        %sub3A_447 = arith.subi %div3A_426, %sub3A_446 : i32
        %select_n3A_448 = arith.select %and3A_445, %sub3A_447, %div3A_426 : i32
        %mul3A_449 = arith.constant 16 : i32
        %mul3A_450 = arith.muli %select_n3A_448, %mul3A_449 : i32
        %get3A_451 = arith.index_cast %mul3A_450 : i32 to index
        %get3A_452 = tpu.vector_load %arg12[%get3A_451] {strides = array<i32>} : memref<10000xf32, #tpu.memory_space<vmem>>, vector<16xf32>,
        %sub3A_453 = arith.subi %sub3A_409, %mul3A_450 : i32
        %eq3A_454 = vector.broadcast %sub3A_453 : i32 to vector<16xi32>
        %eq3A_455 = arith.cmpi eq, %iota3A, %eq3A_454 : vector<16xi32>
        %sub3A_456 = arith.constant 2.560000e+01 : f32
        %sub3A_457 = vector.broadcast %sub3A_456 : f32 to vector<16xf32>
        %sub3A_458 = arith.subf %get3A_452, %sub3A_457 : vector<16xf32>
        %select_n3A_459 = arith.select %eq3A_455, %sub3A_458, %get3A_452 : vector<16xi1>, vector<16xf32>
        %swap3A = arith.index_cast %mul3A_450 : i32 to index
        %swap3A_460 = tpu.vector_load %arg12[%swap3A] {strides = array<i32>} : memref<10000xf32, #tpu.memory_space<vmem>>, vector<16xf32>,
        tpu.vector_store %arg12[%swap3A], %select_n3A_459 {strides = array<i32>} : memref<10000xf32, #tpu.memory_space<vmem>>, vector<16xf32>,
      } else {
      }
      %dma_start3A_418 = tpu.memref_slice %arg4[%add3A_330] : memref<102400000xf32, #tpu.memory_space<hbm>> -> memref<10000xf32, #tpu.memory_space<hbm>>
      %dma_start3A_419 = tpu.memref_slice %arg4[%add3A_330] : memref<102400000xf32, #tpu.memory_space<hbm>> -> memref<10000xf32, #tpu.memory_space<hbm>>
      tpu.enqueue_dma source(%arg8 : memref<10000xf32, #tpu.memory_space<vmem>>) target(%dma_start3A_419 : memref<10000xf32, #tpu.memory_space<hbm>>) target_semaphore(%arg21 : memref<!tpu.dma_semaphore, #tpu.memory_space<semaphore_mem>>)
      %lt3A_420 = arith.constant 79 : i32
      %lt3A_421 = arith.cmpi slt, %add3A_43, %lt3A_420 : i32
      %convert_element_type3A_422 = arith.extui %lt3A_421 : i1 to i32
      %cond3A_423 = arith.constant 0 : i32
      %cond3A_424 = arith.cmpi ne, %convert_element_type3A_422, %cond3A_423 : i32
      scf.if %cond3A_424 {
        %add3A_425 = arith.constant 40000 : i32
        %add3A_426 = arith.addi %add3A_330, %add3A_425 : i32
        %dma_start3A_427 = tpu.memref_slice %arg2[%add3A_426] : memref<102400000xf32, #tpu.memory_space<hbm>> -> memref<10000xf32, #tpu.memory_space<hbm>>
        %dma_start3A_428 = tpu.memref_slice %arg2[%add3A_426] : memref<102400000xf32, #tpu.memory_space<hbm>> -> memref<10000xf32, #tpu.memory_space<hbm>>
        tpu.enqueue_dma source(%dma_start3A_428 : memref<10000xf32, #tpu.memory_space<hbm>>) target(%arg8 : memref<10000xf32, #tpu.memory_space<vmem>>) target_semaphore(%arg17 : memref<!tpu.dma_semaphore, #tpu.memory_space<semaphore_mem>>)
      } else {
      }
    }
    %scan3A_23 = arith.constant 80 : i32
    %add3A_24 = arith.constant 3160000 : i32
    %add3A_25 = arith.addi %mul3A_2, %add3A_24 : i32
    %dma_wait3A = tpu.memref_slice %arg4[%add3A_25] : memref<102400000xf32, #tpu.memory_space<hbm>> -> memref<10000xf32, #tpu.memory_space<hbm>>
    %dma_wait3A_26 = tpu.memref_slice %arg4[%add3A_25] : memref<102400000xf32, #tpu.memory_space<hbm>> -> memref<10000xf32, #tpu.memory_space<hbm>>
    tpu.wait_dma2 semaphore(%arg18 : memref<!tpu.dma_semaphore, #tpu.memory_space<semaphore_mem>>) src(%arg5 : memref<10000xf32, #tpu.memory_space<vmem>>) dst(%dma_wait3A_26 : memref<10000xf32, #tpu.memory_space<hbm>>)
    %add3A_27 = arith.constant 3170000 : i32
    %add3A_28 = arith.addi %mul3A_2, %add3A_27 : i32
    %dma_wait3A_29 = tpu.memref_slice %arg4[%add3A_28] : memref<102400000xf32, #tpu.memory_space<hbm>> -> memref<10000xf32, #tpu.memory_space<hbm>>
    %dma_wait3A_30 = tpu.memref_slice %arg4[%add3A_28] : memref<102400000xf32, #tpu.memory_space<hbm>> -> memref<10000xf32, #tpu.memory_space<hbm>>
    tpu.wait_dma2 semaphore(%arg19 : memref<!tpu.dma_semaphore, #tpu.memory_space<semaphore_mem>>) src(%arg6 : memref<10000xf32, #tpu.memory_space<vmem>>) dst(%dma_wait3A_30 : memref<10000xf32, #tpu.memory_space<hbm>>)
    %add3A_31 = arith.constant 3180000 : i32
    %add3A_32 = arith.addi %mul3A_2, %add3A_31 : i32
    %dma_wait3A_33 = tpu.memref_slice %arg4[%add3A_32] : memref<102400000xf32, #tpu.memory_space<hbm>> -> memref<10000xf32, #tpu.memory_space<hbm>>
    %dma_wait3A_34 = tpu.memref_slice %arg4[%add3A_32] : memref<102400000xf32, #tpu.memory_space<hbm>> -> memref<10000xf32, #tpu.memory_space<hbm>>
    tpu.wait_dma2 semaphore(%arg20 : memref<!tpu.dma_semaphore, #tpu.memory_space<semaphore_mem>>) src(%arg7 : memref<10000xf32, #tpu.memory_space<vmem>>) dst(%dma_wait3A_34 : memref<10000xf32, #tpu.memory_space<hbm>>)
    %add3A_35 = arith.constant 3190000 : i32
    %add3A_36 = arith.addi %mul3A_2, %add3A_35 : i32
    %dma_wait3A_37 = tpu.memref_slice %arg4[%add3A_36] : memref<102400000xf32, #tpu.memory_space<hbm>> -> memref<10000xf32, #tpu.memory_space<hbm>>
    %dma_wait3A_38 = tpu.memref_slice %arg4[%add3A_36] : memref<102400000xf32, #tpu.memory_space<hbm>> -> memref<10000xf32, #tpu.memory_space<hbm>>
    tpu.wait_dma2 semaphore(%arg21 : memref<!tpu.dma_semaphore, #tpu.memory_space<semaphore_mem>>) src(%arg8 : memref<10000xf32, #tpu.memory_space<vmem>>) dst(%dma_wait3A_38 : memref<10000xf32, #tpu.memory_space<hbm>>)
    return
  }
}

</mosaic_0001>

<sc_bundles>
// kernel: kernel.3.cloned.1.call-start
scs
__scs_entry_jumppad:
0x0: {  	(pc) =	sbr.rel $0x88, $3  }
0x1: {  	(tag) =	ssettag $0x0;
	lr =	simm.s32 $0x1  }
0x2: {  	[smem:$0x3F9F] =	sst lr;
	_ =	strace $0xD0000000  }
0x3: {  	_ = 	snop  }
0x4: {  	_ = 	snop  }
0x5: {  	_ = 	snop  }
0x6: {  	_ = 	snop  }
0x7: {  	_ = 	snop  }
__scs_overlays_trampoline_lowered:
0x8: {  	[smem:$0x3FAE] =	sst s0  }
0x9: {  	[smem:$0x3FAF] =	sst s1  }
0xa: {  	[smem:$0x3FB0] =	sst s2  }
0xb: {  	[smem:$0x3FB1] =	sst s3  }
0xc: {  	[smem:$0x3FB2] =	sst s4  }
0xd: {  	[smem:$0x3FB3] =	sst s5  }
0xe: {  	[smem:$0x3FB4] =	sst s6  }
0xf: {  	[smem:$0x3FB5] =	sst s7  }
0x10: {  	[smem:$0x3FB6] =	sst s8  }
0x11: {  	[smem:$0x3FB7] =	sst s9;
	s0 =	simm.s32 @!p0 $0x0  }
0x12: {  	s1 =	sld [smem:$0x3F9D];
	s0 =	simm.s32 @p0 $0x1  }
0x13: {  	[smem:$0x3FB8] =	sst s0;
	s0 =	simm.s32 @!p1 $0x0  }
0x14: {  	s2 =	sld [smem:$0x3F9C];
	s0 =	simm.s32 @p1 $0x1  }
0x15: {  	[smem:$0x3FB9] =	sst s0;
	s0 =	simm.s32 @!p2 $0x0  }
0x16: {  	s3 =	sld [smem:$0x3FDB];
	s0 =	simm.s32 @p2 $0x1  }
0x17: {  	s4 =	simm.s32 $0x1BF5;
	[smem:$0x3FBB] =	sst s0  }
0x18: {  	s0 =	sld [smem:$0x3F9E];
	_ =	swait.ge [sflag:s4], $0x0  }
0x19: {  	s7 =	sld [smem:$0x3F9F]  }
0x1a: {  	s8 =	sadd.s32 $0xFFFFE003, lr  }
0x1b: {  	s9 =	sadd.s32 $0xFFFFFEF7, lr;
	s5 =	simm.s32 $0xFFFFFFFF;
	p2 =	slt.u32 s8, $0xFFFFF086  }
0x1c: {  	p1 =	slt.u32 s9, $0xF7A;
	s5 =	simm.s32 @!p2 $0x0  }
0x1d: {  	s5 =	simm.s32 @p1 $0x1;
	p0 =	seq.s32 s7, s2  }
0x1e: {  	s7 =	smul.u32 @!p0 $0xF7A, s2;
	p2 =	seq.s32 @!p0 s5, $0x0  }
0x1f: {  	s9 =	smul.u32 $0xF7A, s1;
	s8 =	simm.s32 @!p0 $0x1BF5;
	p2 =	por !p2, p0  }
0x20: {  	[sflag:s8] =	ssyncset.s32 @!p0 $0xFFFFF086;
	s6 =	sadd.s32 @!p0 s3, s7;
	s7 =	simm.s32 @!p0 $0x108  }
0x21: {  	s3 =	sadd.s32 s3, s9;
	s6 =	sadd.s32 @!p0 $0x88, s6;
	s7 =	simm.s32 @p2 $0x1082  }
0x22: {  	[simem:s7], [sflag:s8] =	dma.local @!p0 [hbm:s6], $0xF7A  }
0x23: {  	s9 =	sor.u32 $0xD0000000, s2;
	s6 =	simm.s32 $0x108;
	_ =	swait.ge @!p0 [sflag:s8], $0x0  }
0x24: {  	s3 =	sadd.s32 $0x88, s3;
	s6 =	simm.s32 @!p1 $0x1082;
	[sflag:s4] =	ssyncset.s32 $0xFFFFF086  }
0x25: {  	[simem:s6], [sflag:s4] =	dma.local [hbm:s3], $0xF7A  }
0x26: {  	[smem:$0x3F9F] =	sst s1;
	(tag) =	ssettag s2;
	_ =	strace s9  }
0x27: {  	s1 =	sld [smem:$0x3FAF]  }
0x28: {  	s2 =	sld [smem:$0x3FB0]  }
0x29: {  	s4 =	sld [smem:$0x3FB2]  }
0x2a: {  	p0 =	seq.s32 s5, $0x0;
	s5 =	sld [smem:$0x3FB3]  }
0x2b: {  	s6 =	sld [smem:$0x3FB4]  }
0x2c: {  	s7 =	sld [smem:$0x3FB5]  }
0x2d: {  	s3 =	simm.s32 $0x108;
	s8 =	sld [smem:$0x3FB6]  }
0x2e: {  	s3 =	simm.s32 @!p0 $0x1082;
	s9 =	sld [smem:$0x3FB7]  }
0x2f: {  	lr =	sadd.s32 s0, s3;
	s0 =	sld [smem:$0x3FAE]  }
0x30: {  	s3 =	sld [smem:$0x3FB1]  }
0x31: {  	[smem:$0x3FBA] =	sst s10  }
0x32: {  	s10 =	sld [smem:$0x3FB8];
	_ =	sdelay $0x3  }
0x33: {  	p0 =	seq.s32 s10, $0x1;
	s10 =	sld [smem:$0x3FBA];
	_ =	sdelay $0x3  }
0x34: {  	[smem:$0x3FBA] =	sst s10  }
0x35: {  	s10 =	sld [smem:$0x3FB9];
	_ =	sdelay $0x3  }
0x36: {  	p1 =	seq.s32 s10, $0x1;
	s10 =	sld [smem:$0x3FBA];
	_ =	sdelay $0x3  }
0x37: {  	[smem:$0x3FBA] =	sst s10  }
0x38: {  	s10 =	sld [smem:$0x3FBB]  }
0x39: {  	_ = 	snop;
	(pc) =	sbr.ind lr, $3  }
0x3a: {  	_ = 	snop  }
0x3b: {  	_ = 	snop  }
0x3c: {  	p2 =	seq.s32 s10, $0x1;
	s10 =	sld [smem:$0x3FBA]  }
0x3d: {  	_ =	shalt  }
0x3e: {  	_ =	shalt  }
0x3f: {  	_ =	shalt  }
0x40: {  	_ =	shalt  }
0x41: {  	_ =	shalt  }
0x42: {  	_ =	shalt  }
0x43: {  	_ =	shalt  }
0x44: {  	_ =	shalt  }
0x45: {  	_ =	shalt  }
0x46: {  	_ =	shalt  }
0x47: {  	_ =	shalt  }
0x48: {  	_ =	shalt  }
0x49: {  	_ =	shalt  }
0x4a: {  	_ =	shalt  }
0x4b: {  	_ =	shalt  }
0x4c: {  	_ =	shalt  }
0x4d: {  	_ =	shalt  }
0x4e: {  	_ =	shalt  }
0x4f: {  	_ =	shalt  }
0x50: {  	_ =	shalt  }
0x51: {  	_ =	shalt  }
0x52: {  	_ =	shalt  }
0x53: {  	_ =	shalt  }
0x54: {  	_ =	shalt  }
0x55: {  	_ =	shalt  }
0x56: {  	_ =	shalt  }
0x57: {  	_ =	shalt  }
0x58: {  	_ =	shalt  }
0x59: {  	_ =	shalt  }
0x5a: {  	_ =	shalt  }
0x5b: {  	_ =	shalt  }
0x5c: {  	_ =	shalt  }
0x5d: {  	_ =	shalt  }
0x5e: {  	_ =	shalt  }
0x5f: {  	_ =	shalt  }
0x60: {  	_ =	shalt  }
0x61: {  	_ =	shalt  }
0x62: {  	_ =	shalt  }
0x63: {  	_ =	shalt  }
0x64: {  	_ =	shalt  }
0x65: {  	_ =	shalt  }
0x66: {  	_ =	shalt  }
0x67: {  	_ =	shalt  }
0x68: {  	_ =	shalt  }
0x69: {  	_ =	shalt  }
0x6a: {  	_ =	shalt  }
0x6b: {  	_ =	shalt  }
0x6c: {  	_ =	shalt  }
0x6d: {  	_ =	shalt  }
0x6e: {  	_ =	shalt  }
0x6f: {  	_ =	shalt  }
0x70: {  	_ =	shalt  }
0x71: {  	_ =	shalt  }
0x72: {  	_ =	shalt  }
0x73: {  	_ =	shalt  }
0x74: {  	_ =	shalt  }
0x75: {  	_ =	shalt  }
0x76: {  	_ =	shalt  }
0x77: {  	_ =	shalt  }
0x78: {  	_ =	shalt  }
0x79: {  	_ =	shalt  }
0x7a: {  	_ =	shalt  }
0x7b: {  	_ =	shalt  }
0x7c: {  	_ =	shalt  }
0x7d: {  	_ =	shalt  }
0x7e: {  	_ =	shalt  }
0x7f: {  	_ =	shalt  }
0x80: {  	_ =	shalt  }
0x81: {  	_ =	shalt  }
0x82: {  	_ =	shalt  }
0x83: {  	_ =	shalt  }
0x84: {  	_ =	shalt  }
0x85: {  	_ =	shalt  }
0x86: {  	_ =	shalt  }
0x87: {  	_ =	shalt  }
.Lfunc_end0:
.L_simem_size_0:
called_computation.1_lowered:
.L_overlay_start_0:
0x88: {  	s2 =	sld [smem:$0x3FD9]  }
0x89: {  	s3 =	sld [smem:$0x3FFE];
	_ =	sdelay $0x1  }
0x8a: {  	s1 =	srdreg.scid  }
0x8b: {  	s0 =	sand.u32 $0x1, s1  }
0x8c: {  	s17 =	sshll.u32 s0, $0xA;
	s2 =	sadd.s32 s3, s2  }
0x8d: {  	s2 =	sadd.s32 s2, s17  }
0x8e: {  	[smem:$0x3FC6] =	sst s2  }
0x8f: {  	_ = 	snop  }
0x90: {  	s2 =	sld [smem:$0x3FC8]  }
0x91: {  	s18 =	sld [smem:$0x3FD0];
	(tm) =	ssettm $0x1  }
0x92: {  	s4 =	sld [smem:$0x3FFB];
	_ =	sdelay $0x3  }
0x93: {  	_ =	strace s4  }
0x94: {  	s4 =	sld [smem:$0x3FFC];
	_ =	sdelay $0x3  }
0x95: {  	_ =	strace s4  }
0x96: {  	s4 =	sld [smem:$0x3FFD];
	_ =	sdelay $0x3  }
0x97: {  	_ =	strace s4  }
0x98: {  	_ =	strace $0x8FFFFFFF  }
0x99: {  	s19 =	sld [smem:$0x3FDB];
	_ =	sdelay $0x1  }
0x9a: {  	s5 =	simm.s32 $_scs_section_size  }
0x9b: {  	s6 =	simm.s32 $_size__tile_overlayer_lowered;
	s7 =	simm.s32 $_tile_overlayer_lowered  }
0x9c: {  	s22 =	simm.s32 $0x1BFF;
	s21 =	sshll.u32 s7, $0x1;
	s4 =	sadd.s32 s5, s19  }
0x9d: {  	s8 =	simm.s32 $0x0;
	s20 =	sshll.u32 s6, $0x1;
	s6 =	sadd.s32 s21, s4  }
0x9e: {  	[timem:s8], [sflag:s22] =	dma.local [hbm:s6], s20  }
0x9f: {  	_ =	swait.ge [sflag:s22], s20  }
0xa0: {  	s5 =	ssub.s32 $0x0, s20;
	[sflag:s22] =	ssyncset.done $0x0  }
0xa1: {  	[sflag:s22] =	ssyncadd.s32 s5;
	_ =	sdelay $0x1  }
0xa2: {  	s23 =	simm.s32 $0x1B8B  }
0xa3: {  	_ =	swait.ge [sflag:s23], $0x1  }
0xa4: {  	[sflag:s23] =	ssyncset.done $0x0  }
0xa5: {  	s25 =	simm.s32 $0x1B8E;
	s24 =	sld [smem:$0x3FFE];
	[sflag:s23] =	ssyncadd.s32 $0xFFFFFFFF  }
0xa6: {  	s26 =	simm.s32 $execute0_lowered;
	[smem:$0x3FD2] =	sst s25  }
0xa7: {  	s6 =	sshll.u32 s26, $0x1;
	_ =	strace $0x80000046;
	[dreg:$0x1] =	wrdreg $0xFFFFFFFF  }
0xa8: {  	s28 =	simm.s32 $_size_execute0_lowered;
	s4 =	sadd.s32 s4, s6;
	[dreg:$0x0] =	wrdreg $0x0  }
0xa9: {  	s6 =	sshll.u32 s28, $0x1;
	[dreg:$0x2] =	wrdreg s4  }
0xaa: {  	[dreg:$0x3] =	wrdreg s6  }
0xab: {  	[dreg:$0x4] =	wrdreg $0xC0  }
0xac: {  	_ =	task [dreg:s8], $0x5FFFF  }
0xad: {  	[dreg:$0x1] =	wrdreg $0xFFFFFFFF  }
0xae: {  	[dreg:$0x0] =	wrdreg $0x60  }
0xaf: {  	[dreg:$0x2] =	wrdreg s18  }
0xb0: {  	[dreg:$0x3] =	wrdreg s2  }
0xb1: {  	[dreg:$0x4] =	wrdreg s24  }
0xb2: {  	[dreg:$0x5] =	wrdreg $0x9  }
0xb3: {  	_ =	task.clear_ibuf [dreg:s8], $0x6FFFF;
	_ =	strace $0x90000046  }
0xb4: {  	s29 =	simm.s32 $0x9;
	_ =	strace $0x80000048  }
0xb5: {  	_ =	swait.ge [sflag:s29], $0x1  }
0xb6: {  	[sflag:s29] =	ssyncadd.s32 $0xFFFFFFFF  }
0xb7: {  	_ =	strace $0x90000048  }
0xb8: {  	_ =	sfence  }
0xb9: {  	s30 =	sld [smem:$0x0];
	_ =	sdelay $0x2  }
0xba: {  	s31 =	sshll.u32 s1, $0xD;
	s1 =	sshrl.u32 s1, $0x2  }
0xbb: {  	s3 =	sand.u32 $0x4000, s31;
	s1 =	sadd.s32 s1, s30  }
0xbc: {  	s0 =	sor.u32 s3, s0;
	s1 =	sshll.u32 s1, $0x11  }
0xbd: {  	s0 =	sor.u32 s1, s0  }
0xbe: {  	s0 =	sadd.s32 $0x8F2B, s0  }
0xbf: {  	[sflag:s0] =	ssyncadd.remote.s32 $0x1  }
0xc0: {  	_ =	sfence.sel $0xFFFF  }
0xc1: {  	[dreg:$0x0] =	wrdreg $0xFFFFFFFF;
	(pc) =	sbr.abs _section_cstart, $3  }
0xc2: {  	[dreg:$0x1] =	wrdreg $0xFFFFFFFF  }
0xc3: {  	_ =	task.clear_ibuf [dreg:s8], $0x2FFFF;
	_ =	strace $0x9FFFFFFF  }
0xc4: {  	(tm) =	ssettm $0x7FFFFFFF  }
0xc5: {  	_ =	shalt  }
tec
execute0_lowered:
.L_overlay_start_1:
0x0: {  	(tag) =	ssettag $0x1  }
0x1: {  	s11 =	rddreg [dreg:$0x0]  }
0x2: {  	s0 =	rddreg [dreg:$0x1];
	s2 =	srdreg.scid  }
0x3: {  	s1 =	stileid.u32;
	s4 =	rddreg [dreg:$0x2];
	s3 =	simm.s32 $0x0  }
0x4: {  	s2 =	sand.u32 $0x1, s2;
	s5 =	sshll.u32 s1, $0x1;
	[smem:$0x7FF] =	sst s3  }
0x5: {  	s8 =	smul.u32 $0x61A800, s1;
	s4 =	sadd.s32 $0x800, s4;
	s5 =	sor.u32 s2, s5  }
0x6: {  	_ =	strace $0x80000047;
	s7 =	ssub.s32 $0x2, s2;
	s2 =	smul.u32 $0x30D400, s2  }
0x7: {  	s6 =	smul.u32 $0x30D400, s5;
	s9 =	sshrl.u32 s7, $0x1;
	s5 =	sshll.u32 s5, $0x2  }
0x8: {  	s7 =	ssub.s32 s7, s9;
	s0 =	sadd.s32 s0, s5;
	s18 =	sadd.s32 s2, s8  }
0x9: {  	s6 =	sshrl.u32 s6, $0x3;
	[dreg:$0x4] =	wrdreg s0;
	s21 =	sshrl.u32 s18, $0x3  }
0xa: {  	s22 =	smax.u32 s7, $0x1;
	s23 =	sadd.s32 $0x9C40, s18;
	s24 =	sadd.s32 $0x7530, s18  }
0xb: {  	s25 =	sadd.s32 $0x11170, s18;
	s26 =	sadd.s32 $0x4E20, s18;
	s30 =	sadd.s32 $0xEA60, s18  }
0xc: {  	s31 =	sadd.s32 $0x2710, s18;
	s0 =	sadd.s32 $0xC350, s18;
	[dreg:$0x9] =	wrdreg s22  }
0xd: {  	s17 =	sadd.s32 s11, s6;
	s10 =	sadd.s32 s21, s4;
	[dreg:$0xa] =	wrdreg s23  }
0xe: {  	s2 =	sshrl.u32 s24, $0x3;
	s5 =	sshrl.u32 s25, $0x3;
	s29 =	sshrl.u32 s26, $0x3  }
0xf: {  	s0 =	sshrl.u32 s0, $0x3;
	s22 =	simm.s32 $0x7680;
	s23 =	simm.s32 $0x1  }
0x10: {  	s24 =	simm.s32 $0x2;
	s25 =	simm.s32 $0x3;
	s26 =	simm.s32 $0x4  }
0x11: {  	s19 =	sadd.s32 $0x4E2, s17;
	s20 =	sadd.s32 $0x9C4, s17;
	[dreg:$0x5] =	wrdreg s17  }
.Ltmp0:
0x12: {  	s1 =	sadd.s32 $0xEA6, s17;
	[dreg:$0x6] =	wrdreg s19;
	(pc) =	sbr.rel .LBB2_1-.Ltmp0, $4  }
0x13: {  	s12 =	sadd.s32 s2, s4;
	s28 =	sadd.s32 s5, s11;
	[dreg:$0x7] =	wrdreg s20  }
0x14: {  	s14 =	sadd.s32 s29, s4;
	s2 =	sshrl.u32 s30, $0x3;
	[dreg:$0x8] =	wrdreg s1  }
0x15: {  	s5 =	sshrl.u32 s31, $0x3;
	s17 =	sadd.s32 s0, s11;
	[dreg:$0xb] =	wrdreg s28  }
0x16: {  	v0 =	vlaneseq.u32;
	s15 =	sadd.s32 s2, s11;
	s16 =	sadd.s32 s5, s4;
	s2 =	simm.s32 $0x0  }
.LBB2_4:
0x17: {  	s0 =	simm.s32 $0x5  }
0x18: {  	_ =	swait.ge [sflag:s0], $0x2710  }
0x19: {  	[sflag:s0] =	ssyncset.done $0x0  }
0x1a: {  	s29 =	simm.s32 $0x6;
	[sflag:s0] =	ssyncadd.s32 $0xFFFFD8F0  }
0x1b: {  	_ =	swait.ge [sflag:s29], $0x2710  }
0x1c: {  	[sflag:s29] =	ssyncset.done $0x0  }
0x1d: {  	s30 =	simm.s32 $0x7;
	[sflag:s29] =	ssyncadd.s32 $0xFFFFD8F0  }
0x1e: {  	_ =	swait.ge [sflag:s30], $0x2710  }
0x1f: {  	[sflag:s30] =	ssyncset.done $0x0  }
0x20: {  	s1 =	simm.s32 $0x8;
	[sflag:s30] =	ssyncadd.s32 $0xFFFFD8F0  }
0x21: {  	_ =	swait.ge [sflag:s1], $0x2710  }
0x22: {  	s2 =	rddreg [dreg:$0xc]  }
0x23: {  	s31 =	rddreg [dreg:$0x9];
	s2 =	sadd.s32 $0x1, s2  }
0x24: {  	p0 =	sne.s32 s2, s31  }
.Ltmp1:
0x25: {  	_ = 	snop;
	(pc) =	sbr.rel @!p0 .LBB2_5-.Ltmp1, $3  }
0x26: {  	_ =	sdelay $0x1  }
0x27: {  	[sflag:s1] =	ssyncset.done $0x0  }
0x28: {  	[sflag:s1] =	ssyncadd.s32 $0xFFFFD8F0  }
.LBB2_1:
0x29: {  	[dreg:$0xc] =	wrdreg s2  }
0x2a: {  	s0 =	rddreg [dreg:$0x4];
	s1 =	simm.s32 $0x13C00  }
0x2b: {  	s18 =	simm.s32 $0x9;
	s21 =	simm.s32 $0x2780;
	s30 =	simm.s32 $0x4F00  }
0x2c: {  	[tilespmem:s1], [sflag:$0x9] =	stream.linear.gather [hbm4b:s0+s3], $0x20, $0x38;
	[tilespmem:$0x13C80] =	vst v63  }
0x2d: {  	s4 =	simm.s32 $0x7FFFD8F0;
	s6 =	simm.s32 $0x80000000;
	_ =	swait.ge [sflag:s18], $0x20  }
0x2e: {  	s7 =	simm.s32 $0x2;
	[sflag:s18] =	ssyncset.done $0x0;
	s19 =	rddreg [dreg:$0x5]  }
0x2f: {  	s8 =	simm.s32 $0x3;
	s20 =	rddreg [dreg:$0x6];
	[sflag:s18] =	ssyncadd.s32 $0xFFFFFFE0  }
0x30: {  	[tilespmem:s3], [sflag:$0x1] =	stream.linear.gather [hbm4b:s19+s3], $0x2710, $0x38;
	[tilespmem:$0x13C80] =	vst v63  }
0x31: {  	s9 =	simm.s32 $0x0;
	s5 =	simm.s32 $0x0;
	s29 =	rddreg [dreg:$0x7]  }
0x32: {  	[tilespmem:s21], [sflag:$0x2] =	stream.linear.gather [hbm4b:s20+s3], $0x2710, $0x38;
	[tilespmem:$0x13C80] =	vst v63  }
0x33: {  	s28 =	simm.s32 $0x0;
	s0 =	simm.s32 $0x7FFF8AD0;
	s31 =	rddreg [dreg:$0x8]  }
0x34: {  	[tilespmem:s30], [sflag:$0x3] =	stream.linear.gather [hbm4b:s29+s3], $0x2710, $0x38;
	[tilespmem:$0x13C80] =	vst v63  }
0x35: {  	s11 =	rddreg [dreg:$0xa];
	s18 =	simm.s32 $0x7FFFB1E0;
	s19 =	simm.s32 $0x0  }
0x36: {  	[tilespmem:s22], [sflag:$0x4] =	stream.linear.gather [hbm4b:s31+s3], $0x2710, $0x38;
	[tilespmem:$0x13C80] =	vst v63  }
.LBB2_2:
0x37: {  	s29 =	smul.u32 $0xCCCD, s9;
	_ =	sdelay $0x1  }
0x38: {  	_ =	swait.ge [sflag:s23], $0x2710;
	s30 =	sshrl.u32 s29, $0x13  }
0x39: {  	p0 =	seq.s32 s19, $0x0;
	p1 =	slt.u32 s28, $0x3;
	s29 =	sand.u32 $0xF, s30  }
0x3a: {  	p3 =	sgt.u32 s28, $0x27;
	s2 =	simm.s32 $0x1;
	p2 =	sne.s32 s29, $0x0  }
0x3b: {  	[sflag:s23] =	ssyncset.done $0x0;
	s31 =	simm.s32 @!p0 $0x5;
	p1 =	por !p1, !p2  }
0x3c: {  	[sflag:s23] =	ssyncadd.s32 $0xFFFFD8F0;
	s29 =	simm.s32 $0x1;
	p1 =	por !p1, !p1  }
0x3d: {  	_ =	swait.ge @!p0 [sflag:s31], $0x2710;
	s29 =	simm.s32 @!p3 $0x0;
	s2 =	simm.s32 @!p1 $0x0  }
0x3e: {  	[sflag:s31] =	ssyncset.done @!p0 $0x0;
	s2 =	ssub.s32 s29, s2  }
0x3f: {  	[sflag:s31] =	ssyncadd.s32 @!p0 $0xFFFFD8F0;
	s2 =	sshll.u32 s2, $0x4  }
0x40: {  	v1 =	vld [tilespmem:s2+$0x13C00];
	_ =	sdelay $0x2  }
0x41: {  	s30 =	ssub.s32 s30, s2  }
0x42: {  	v2 =	vmov s30  }
0x43: {  	vm0 =	veq.s32 v2, v0;
	v1 =	vxor.u32 $0x80000000, v1  }
0x44: {  	v1 =	vnsel vm0, $0x7FFFFFFE, v1  }
0x45: {  	(xrf0) =	vmax.scan.msk.u32 $0xffff, v1;
	_ =	sdelay $0x5  }
0x46: {  	v1, _, _ =	vpop (xrf0)  }
0x47: {  	(v2sf) =	vpush v1, $0xF;
	_ =	sdelay $0xb  }
0x48: {  	s13 =	smulhi.u32 $0xCCCCCCCD, s9;
	_ =	sdelay $0x1  }
0x49: {  	s30 =	sshrl.u32 s13, $0x3  }
0x4a: {  	s31 =	smul.u32 $0x186A0, s30;
	s30 =	spop (v2sf)  }
0x4b: {  	s1 =	sadd.s32 s19, s30  }
0x4c: {  	s1 =	sadd.s32 s31, s1  }
0x4d: {  	s1 =	sadd.s32 $0x80000000, s1  }
0x4e: {  	p1 =	sgt.u32 s1, $0x270F  }
0x4f: {  	s20 =	sand.u32 @!p1 $0xF, s30  }
0x50: {  	p2 =	seq.s32 @!p1 s1, $0x0;
	p3 =	sne.s32 @!p1 s20, $0x0  }
0x51: {  	p2 =	por @!p1 !p3, !p2  }
0x52: {  	p2 =	por @!p1 !p2, !p2  }
0x53: {  	s1 =	simm.s32 @!p1 $0xFFFFFFFF;
	p2 =	por !p2, p1  }
0x54: {  	s1 =	simm.s32 @p2 $0x0  }
0x55: {  	s1 =	sshll.u32 @!p1 s1, $0x4  }
0x56: {  	s21 =	sadd.s32 @!p1 s31, s19;
	s20 =	sadd.s32 @!p1 s1, s30  }
0x57: {  	s20 =	sadd.s32 @!p1 s20, s21  }
0x58: {  	s21 =	sadd.s32 @!p1 s6, s30;
	s20 =	sadd.s32 @!p1 $0x80000000, s20  }
0x59: {  	s21 =	sadd.s32 @!p1 s31, s21;
	s20 =	sand.u32 @!p1 $0xFFFFFFF0, s20  }
0x5a: {  	s1 =	sadd.s32 @!p1 s1, s21;
	v1 =	vld @!p1 [tilespmem:s20+$0x9E00]  }
0x5b: {  	s21 =	sadd.s32 @!p1 s19, s30;
	s1 =	sand.u32 @!p1 $0xFFFFFFF0, s1  }
0x5c: {  	s1 =	ssub.s32 @!p1 s21, s1  }
0x5d: {  	s1 =	sadd.s32 @!p1 s31, s1  }
0x5e: {  	s1 =	sadd.s32 @!p1 $0x80000000, s1  }
0x5f: {  	v3 =	vlaneseq.u32 @!p1;
	v2 =	vmov @!p1 s1;
	v4 =	vadd.f32 @!p1 $-2.560000040e+01, v1  }
0x60: {  	vm1 =	veq.s32 @!p1 v2, v3  }
0x61: {  	v1 =	vsel @!p1 vm1, v4, v1  }
0x62: {  	[tilespmem:s20+$0x9E00] =	vst @!p1 v1;
	s20 =	sadd.s32 s5, s10;
	p1 =	seq.s32 s19, $0xFFCFC840  }
0x63: {  	[hbm4b:s20+s3] =	stream.linear.scatter [tilespmem:s3], [sflag:$0x5], $0x2710, $0x38;
	[tilespmem:$0x13C80] =	vst v63  }
0x64: {  	s13 =	rddreg [dreg:$0x0];
	s1 =	sshrl.u32 @!p1 s11, $0x3  }
0x65: {  	s30 =	simm.s32 @!p1 $0x0;
	s1 =	sadd.s32 @!p1 s13, s1  }
0x66: {  	[tilespmem:s30], [sflag:$0x1] =	stream.linear.gather @!p1 [hbm4b:s1+s30], $0x2710, $0x38;
	[tilespmem:$0x13C80] =	vst v63  }
0x67: {  	_ =	swait.ge [sflag:s24], $0x2710  }
0x68: {  	[sflag:s24] =	ssyncset.done $0x0  }
0x69: {  	s1 =	simm.s32 @!p0 $0x6;
	[sflag:s24] =	ssyncadd.s32 $0xFFFFD8F0  }
0x6a: {  	_ =	swait.ge @!p0 [sflag:s1], $0x2710  }
0x6b: {  	[sflag:s1] =	ssyncset.done @!p0 $0x0  }
0x6c: {  	[sflag:s1] =	ssyncadd.s32 @!p0 $0xFFFFD8F0  }
0x6d: {  	v1 =	vld [tilespmem:s2+$0x13C00];
	_ =	sdelay $0x4  }
0x6e: {  	v1 =	vxor.u32 $0x80000000, v1  }
0x6f: {  	v1 =	vnsel vm0, $0x7FFFFFFE, v1  }
0x70: {  	(xrf0) =	vmax.scan.msk.u32 $0xffff, v1;
	_ =	sdelay $0x5  }
0x71: {  	v1, _, _ =	vpop (xrf0)  }
0x72: {  	(v2sf) =	vpush v1, $0xF;
	_ =	sdelay $0xe  }
0x73: {  	s1 =	spop (v2sf)  }
0x74: {  	s21 =	sadd.s32 s19, s1  }
0x75: {  	s2 =	sadd.s32 s31, s21  }
0x76: {  	s13 =	sadd.s32 $0x7FFFD8F0, s2  }
0x77: {  	p2 =	sgt.u32 s13, $0x270F  }
0x78: {  	s20 =	sand.u32 @!p2 $0xF, s1  }
0x79: {  	p3 =	seq.s32 @!p2 s2, $0x80002710;
	p4 =	sne.s32 @!p2 s20, $0x0  }
0x7a: {  	p3 =	por @!p2 !p4, !p3  }
0x7b: {  	p3 =	por @!p2 !p3, !p3  }
0x7c: {  	s2 =	simm.s32 @!p2 $0xFFFFFFFF;
	p3 =	por !p3, p2  }
0x7d: {  	s2 =	simm.s32 @p3 $0x0  }
0x7e: {  	s2 =	sshll.u32 @!p2 s2, $0x4  }
0x7f: {  	s21 =	sadd.s32 @!p2 s31, s19;
	s20 =	sadd.s32 @!p2 s2, s1  }
0x80: {  	s20 =	sadd.s32 @!p2 s20, s21  }
0x81: {  	s21 =	sadd.s32 @!p2 s4, s1;
	s20 =	sadd.s32 @!p2 $0x7FFFD8F0, s20  }
0x82: {  	s21 =	sadd.s32 @!p2 s31, s21;
	s20 =	sand.u32 @!p2 $0xFFFFFFF0, s20  }
0x83: {  	s2 =	sadd.s32 @!p2 s2, s21;
	v1 =	vld @!p2 [tilespmem:s20+$0xC580]  }
0x84: {  	s1 =	sadd.s32 @!p2 s19, s1;
	s2 =	sand.u32 @!p2 $0xFFFFFFF0, s2  }
0x85: {  	s1 =	ssub.s32 @!p2 s1, s2  }
0x86: {  	s1 =	sadd.s32 @!p2 s31, s1  }
0x87: {  	s1 =	sadd.s32 @!p2 $0x7FFFD8F0, s1  }
0x88: {  	v3 =	vlaneseq.u32 @!p2;
	v2 =	vmov @!p2 s1;
	v4 =	vadd.f32 @!p2 $-2.560000040e+01, v1  }
0x89: {  	vm0 =	veq.s32 @!p2 v2, v3  }
0x8a: {  	s1 =	sadd.s32 $0x2, s9;
	v1 =	vsel @!p2 vm0, v4, v1  }
0x8b: {  	s21 =	sadd.s32 s5, s16;
	s31 =	simm.s32 $0x2780;
	s13 =	smul.u32 $0xCCCD, s1;
	[tilespmem:s20+$0xC580] =	vst @!p2 v1  }
0x8c: {  	[hbm4b:s21+s3] =	stream.linear.scatter [tilespmem:s31], [sflag:$0x6], $0x2710, $0x38;
	[tilespmem:$0x13C80] =	vst v63  }
0x8d: {  	s31 =	sshrl.u32 s13, $0x13  }
0x8e: {  	s2 =	sadd.s32 @!p1 s5, s17;
	s20 =	simm.s32 @!p1 $0x2780;
	s13 =	sand.u32 $0xF, s31  }
0x8f: {  	[tilespmem:s20], [sflag:$0x2] =	stream.linear.gather @!p1 [hbm4b:s2+s30], $0x2710, $0x38;
	[tilespmem:$0x13C80] =	vst v63  }
0x90: {  	p3 =	slt.u32 s1, $0xA;
	p4 =	sne.s32 s13, $0x0;
	_ =	swait.ge [sflag:s25], $0x2710  }
0x91: {  	s1 =	simm.s32 @!p0 $0x7;
	p2 =	por !p3, !p4;
	[sflag:s25] =	ssyncset.done $0x0  }
0x92: {  	s20 =	simm.s32 $0x1;
	p2 =	por !p2, !p2;
	[sflag:s25] =	ssyncadd.s32 $0xFFFFD8F0  }
0x93: {  	s20 =	simm.s32 @!p2 $0x0;
	_ =	swait.ge @!p0 [sflag:s1], $0x2710  }
0x94: {  	s20 =	ssub.s32 s29, s20;
	[sflag:s1] =	ssyncset.done @!p0 $0x0  }
0x95: {  	s20 =	sshll.u32 s20, $0x4;
	[sflag:s1] =	ssyncadd.s32 @!p0 $0xFFFFD8F0  }
0x96: {  	v1 =	vld [tilespmem:s20+$0x13C00];
	_ =	sdelay $0x2  }
0x97: {  	s1 =	ssub.s32 s31, s20  }
0x98: {  	v2 =	vmov s1  }
0x99: {  	vm14 =	veq.s32 v2, v0;
	v1 =	vxor.u32 $0x80000000, v1  }
0x9a: {  	v1 =	vnsel vm14, $0x7FFFFFFE, v1  }
0x9b: {  	(xrf0) =	vmax.scan.msk.u32 $0xffff, v1;
	_ =	sdelay $0x5  }
0x9c: {  	v1, _, _ =	vpop (xrf0)  }
0x9d: {  	(v2sf) =	vpush v1, $0xF;
	_ =	sdelay $0xa  }
0x9e: {  	s21 =	smulhi.u32 $0xCCCCCCCD, s7;
	_ =	sdelay $0x1  }
0x9f: {  	s1 =	sshrl.u32 s21, $0x3  }
0xa0: {  	s1 =	smul.u32 $0x186A0, s1  }
0xa1: {  	s2 =	spop (v2sf)  }
0xa2: {  	s20 =	sadd.s32 $0x7FFFB1E0, s1;
	s31 =	sadd.s32 s19, s2  }
0xa3: {  	s21 =	sadd.s32 s20, s31  }
0xa4: {  	p2 =	sgt.u32 s21, $0x270F  }
0xa5: {  	s31 =	sand.u32 @!p2 $0xF, s2  }
0xa6: {  	p3 =	seq.s32 @!p2 s21, $0x0;
	p4 =	sne.s32 @!p2 s31, $0x0  }
0xa7: {  	p3 =	por @!p2 !p4, !p3  }
0xa8: {  	p3 =	por @!p2 !p3, !p3  }
0xa9: {  	s21 =	simm.s32 @!p2 $0xFFFFFFFF;
	p3 =	por !p3, p2  }
0xaa: {  	s21 =	simm.s32 @p3 $0x0  }
0xab: {  	s31 =	sadd.s32 @!p2 s19, s2;
	s21 =	sshll.u32 @!p2 s21, $0x4  }
0xac: {  	s13 =	sadd.s32 @!p2 s21, s31  }
0xad: {  	s13 =	sadd.s32 @!p2 s20, s13  }
0xae: {  	s2 =	sadd.s32 @!p2 s18, s2;
	s13 =	sand.u32 @!p2 $0xFFFFFFF0, s13  }
0xaf: {  	s1 =	sadd.s32 @!p2 s1, s2;
	v1 =	vld @!p2 [tilespmem:s13+$0xED00]  }
0xb0: {  	s1 =	sadd.s32 @!p2 s21, s1  }
0xb1: {  	s1 =	sand.u32 @!p2 $0xFFFFFFF0, s1  }
0xb2: {  	s1 =	ssub.s32 @!p2 s31, s1  }
0xb3: {  	s1 =	sadd.s32 @!p2 s20, s1  }
0xb4: {  	v3 =	vlaneseq.u32 @!p2;
	v2 =	vmov @!p2 s1;
	v4 =	vadd.f32 @!p2 $-2.560000040e+01, v1  }
0xb5: {  	vm0 =	veq.s32 @!p2 v2, v3  }
0xb6: {  	v1 =	vsel @!p2 vm0, v4, v1  }
0xb7: {  	s20 =	simm.s32 $0x4F00;
	s1 =	sadd.s32 $0x3, s9;
	[tilespmem:s13+$0xED00] =	vst @!p2 v1;
	s13 =	sadd.s32 s5, s14  }
0xb8: {  	[hbm4b:s13+s3] =	stream.linear.scatter [tilespmem:s20], [sflag:$0x7], $0x2710, $0x38;
	[tilespmem:$0x13C80] =	vst v63  }
0xb9: {  	s2 =	sadd.s32 @!p1 s5, s15;
	s21 =	smul.u32 $0xCCCD, s1;
	s13 =	simm.s32 @!p1 $0x4F00  }
0xba: {  	[tilespmem:s13], [sflag:$0x3] =	stream.linear.gather @!p1 [hbm4b:s2+s30], $0x2710, $0x38;
	[tilespmem:$0x13C80] =	vst v63  }
0xbb: {  	s30 =	sshrl.u32 s21, $0x13  }
0xbc: {  	s31 =	sand.u32 $0xF, s30  }
0xbd: {  	p5 =	slt.u32 s1, $0xA;
	_ =	swait.ge [sflag:s26], $0x2710;
	p6 =	sne.s32 s31, $0x0  }
0xbe: {  	s1 =	simm.s32 @!p0 $0x8;
	[sflag:s26] =	ssyncset.done $0x0;
	p2 =	por !p5, !p6  }
0xbf: {  	s13 =	simm.s32 $0x1;
	[sflag:s26] =	ssyncadd.s32 $0xFFFFD8F0;
	p2 =	por !p2, !p2  }
0xc0: {  	_ =	swait.ge @!p0 [sflag:s1], $0x2710;
	s13 =	simm.s32 @!p2 $0x0  }
0xc1: {  	[sflag:s1] =	ssyncset.done @!p0 $0x0;
	s13 =	ssub.s32 s29, s13  }
0xc2: {  	[sflag:s1] =	ssyncadd.s32 @!p0 $0xFFFFD8F0;
	s20 =	sshll.u32 s13, $0x4  }
0xc3: {  	v1 =	vld [tilespmem:s20+$0x13C00];
	_ =	sdelay $0x2  }
0xc4: {  	s1 =	ssub.s32 s30, s20  }
0xc5: {  	v2 =	vmov s1  }
0xc6: {  	vm15 =	veq.s32 v2, v0;
	v1 =	vxor.u32 $0x80000000, v1  }
0xc7: {  	v1 =	vnsel vm15, $0x7FFFFFFE, v1  }
0xc8: {  	(xrf0) =	vmax.scan.msk.u32 $0xffff, v1;
	_ =	sdelay $0x5  }
0xc9: {  	v1, _, _ =	vpop (xrf0)  }
0xca: {  	(v2sf) =	vpush v1, $0xF;
	_ =	sdelay $0xb  }
0xcb: {  	s21 =	smulhi.u32 $0xCCCCCCCD, s8;
	_ =	sdelay $0x1  }
0xcc: {  	s1 =	sshrl.u32 s21, $0x3  }
0xcd: {  	s1 =	smul.u32 $0x186A0, s1;
	s2 =	spop (v2sf)  }
0xce: {  	s29 =	sadd.s32 s19, s2  }
0xcf: {  	s13 =	sadd.s32 s1, s29  }
0xd0: {  	s30 =	sadd.s32 $0x7FFF8AD0, s13  }
0xd1: {  	p0 =	sgt.u32 s30, $0x270F  }
0xd2: {  	s20 =	sand.u32 @!p0 $0xF, s2  }
0xd3: {  	p2 =	seq.s32 @!p0 s13, $0x80007530;
	p3 =	sne.s32 @!p0 s20, $0x0  }
0xd4: {  	p2 =	por @!p0 !p3, !p2  }
0xd5: {  	p2 =	por @!p0 !p2, !p2  }
0xd6: {  	s13 =	simm.s32 @!p0 $0xFFFFFFFF;
	p2 =	por !p2, p0  }
0xd7: {  	s13 =	simm.s32 @p2 $0x0  }
0xd8: {  	s13 =	sshll.u32 @!p0 s13, $0x4  }
0xd9: {  	s21 =	sadd.s32 @!p0 s1, s19;
	s20 =	sadd.s32 @!p0 s13, s2  }
0xda: {  	s20 =	sadd.s32 @!p0 s20, s21  }
0xdb: {  	s21 =	sadd.s32 @!p0 s0, s2;
	s20 =	sadd.s32 @!p0 $0x7FFF8AD0, s20  }
0xdc: {  	s21 =	sadd.s32 @!p0 s1, s21;
	s20 =	sand.u32 @!p0 $0xFFFFFFF0, s20  }
0xdd: {  	s13 =	sadd.s32 @!p0 s13, s21;
	v1 =	vld @!p0 [tilespmem:s20+$0x11480]  }
0xde: {  	s2 =	sadd.s32 @!p0 s19, s2;
	s13 =	sand.u32 @!p0 $0xFFFFFFF0, s13  }
0xdf: {  	s2 =	ssub.s32 @!p0 s2, s13  }
0xe0: {  	s1 =	sadd.s32 @!p0 s1, s2  }
0xe1: {  	s1 =	sadd.s32 @!p0 $0x7FFF8AD0, s1  }
.Ltmp2:
0xe2: {  	v3 =	vlaneseq.u32 @!p0;
	v2 =	vmov @!p0 s1;
	v4 =	vadd.f32 @!p0 $-2.560000040e+01, v1;
	(pc) =	sbr.rel @p1 .LBB2_4-.Ltmp2, $4  }
0xe3: {  	vm0 =	veq.s32 @!p0 v2, v3  }
0xe4: {  	v1 =	vsel @!p0 vm0, v4, v1  }
0xe5: {  	s31 =	sadd.s32 s5, s12;
	[tilespmem:s20+$0x11480] =	vst @!p0 v1  }
0xe6: {  	[hbm4b:s31+s3] =	stream.linear.scatter [tilespmem:s22], [sflag:$0x8], $0x2710, $0x38;
	[tilespmem:$0x13C80] =	vst v63  }
0xe7: {  	s1 =	rddreg [dreg:$0xb];
	s28 =	sadd.s32 $0x1, s28  }
.Ltmp3:
0xe8: {  	s19 =	sadd.s32 $0xFFFF63C0, s19;
	s11 =	sadd.s32 $0x9C40, s11;
	(pc) =	sbr.rel .LBB2_2-.Ltmp3, $4  }
0xe9: {  	s9 =	sadd.s32 $0x4, s9;
	s8 =	sadd.s32 $0x4, s8;
	s0 =	sadd.s32 $0xFFFF63C0, s0  }
0xea: {  	s7 =	sadd.s32 $0x4, s7;
	s18 =	sadd.s32 $0xFFFF63C0, s18;
	s4 =	sadd.s32 $0xFFFF63C0, s4  }
0xeb: {  	s6 =	sadd.s32 $0xFFFF63C0, s6;
	s1 =	sadd.s32 s5, s1;
	s5 =	sadd.s32 $0x1388, s5  }
0xec: {  	[tilespmem:s22], [sflag:$0x4] =	stream.linear.gather [hbm4b:s1+s3], $0x2710, $0x38;
	[tilespmem:$0x13C80] =	vst v63  }
.LBB2_5:
0xed: {  	_ =	sfence.sel $0x180000  }
0xee: {  	[bflag:$0x0] =	sbarrier.arrive $0xFFFF  }
0xef: {  	_ =	strace $0x90000047  }
0xf0: {  	s0 =	stileid.u32;
	[bflag:$0x2] =	sbarrier.arrive $0xFFFF  }
0xf1: {  	p0 =	sne.s32 s0, $0x0;
	s0 =	rddreg [dreg:$0x3]  }
0xf2: {  	s0 =	sadd.s32 @!p0 $0x100000, s0  }
0xf3: {  	[sflag:s0] =	ssyncadd.tile.s32 @!p0 $0x1;
	_ =	shalt  }
.Lfunc_end2:
_tile_overlayer_lowered:
.L_overlay_start_2:
0xf4: {  	(tag) =	ssettag $0x2  }
0xf5: {  	s0 =	rddreg [dreg:$0x0];
	s2 =	stileid.u32  }
0xf6: {  	s1 =	rddreg [dreg:$0x1];
	p0 =	sne.s32 s2, $0x0  }
0xf7: {  	s3 =	rddreg [dreg:$0x2];
	[bflag:$0x3] =	sbarrier.arrive $0xFFFF;
	s2 =	simm.s32 @!p0 $0x1C09  }
0xf8: {  	[timem:s3], [sflag:s2] =	dma.local @!p0 [hbm:s0], s1  }
0xf9: {  	s0 =	simm.s32 @!p0 $0x9  }
0xfa: {  	_ =	swait.ge @!p0 [sflag:s0], s1  }
0xfb: {  	s1 =	ssub.s32 @!p0 $0x0, s1;
	[sflag:s0] =	ssyncset.done @!p0 $0x0  }
0xfc: {  	[sflag:s0] =	ssyncadd.s32 @!p0 s1  }
0xfd: {  	[bflag:$0x3] =	sbarrier.arrive $0xFFFF  }
0xfe: {  	_ =	shalt  }

// kernel: sparse-core-data-format-call.cloned.1.call-start
scs
called_computation_lowered:
.L_overlay_start_0:
0x0: {  	s2 =	sld [smem:$0x3FD9]  }
0x1: {  	s3 =	sld [smem:$0x3FFE];
	_ =	sdelay $0x1  }
0x2: {  	s1 =	srdreg.scid  }
0x3: {  	s0 =	sand.u32 $0x1, s1  }
0x4: {  	s18 =	sshll.u32 s0, $0xA;
	s2 =	sadd.s32 s3, s2  }
0x5: {  	s2 =	sadd.s32 s2, s18  }
0x6: {  	[smem:$0x3FC6] =	sst s2  }
0x7: {  	_ = 	snop  }
0x8: {  	s2 =	sld [smem:$0x3FD0];
	(tm) =	ssettm $0x1  }
0x9: {  	s19 =	sld [smem:$0x3FFB];
	_ =	sdelay $0x3  }
0xa: {  	_ =	strace s19  }
0xb: {  	s3 =	sld [smem:$0x3FFC];
	_ =	sdelay $0x3  }
0xc: {  	_ =	strace s3  }
0xd: {  	s3 =	sld [smem:$0x3FFD];
	_ =	sdelay $0x3  }
0xe: {  	_ =	strace s3  }
0xf: {  	_ =	strace $0x8FFFFFFF  }
0x10: {  	s20 =	sld [smem:$0x3FDB];
	_ =	sdelay $0x1  }
0x11: {  	s4 =	simm.s32 $_scs_section_size  }
0x12: {  	s5 =	simm.s32 $_size__tile_overlayer_lowered;
	s6 =	simm.s32 $_tile_overlayer_lowered  }
0x13: {  	s23 =	simm.s32 $0x1BFF;
	s22 =	sshll.u32 s6, $0x1;
	s3 =	sadd.s32 s4, s20  }
0x14: {  	s7 =	simm.s32 $0x0;
	s21 =	sshll.u32 s5, $0x1;
	s5 =	sadd.s32 s22, s3  }
0x15: {  	[timem:s7], [sflag:s23] =	dma.local [hbm:s5], s21  }
0x16: {  	_ =	swait.ge [sflag:s23], s21  }
0x17: {  	s4 =	ssub.s32 $0x0, s21;
	[sflag:s23] =	ssyncset.done $0x0  }
0x18: {  	[sflag:s23] =	ssyncadd.s32 s4;
	_ =	sdelay $0x1  }
0x19: {  	s24 =	simm.s32 $0x1B8B  }
0x1a: {  	_ =	swait.ge [sflag:s24], $0x1  }
0x1b: {  	[sflag:s24] =	ssyncset.done $0x0  }
0x1c: {  	s26 =	simm.s32 $0x1B8E;
	s25 =	sld [smem:$0x3FFE];
	[sflag:s24] =	ssyncadd.s32 $0xFFFFFFFF  }
0x1d: {  	s27 =	simm.s32 $execute0_lowered;
	[smem:$0x3FD2] =	sst s26  }
0x1e: {  	s5 =	sshll.u32 s27, $0x1;
	_ =	strace $0x80000049;
	[dreg:$0x1] =	wrdreg $0xFFFFFFFF  }
0x1f: {  	s28 =	simm.s32 $_size_execute0_lowered;
	s3 =	sadd.s32 s3, s5;
	[dreg:$0x0] =	wrdreg $0x0  }
0x20: {  	s5 =	sshll.u32 s28, $0x1;
	[dreg:$0x2] =	wrdreg s3  }
0x21: {  	[dreg:$0x3] =	wrdreg s5  }
0x22: {  	[dreg:$0x4] =	wrdreg $0xC0  }
0x23: {  	_ =	task [dreg:s7], $0x5FFFF  }
0x24: {  	[dreg:$0x1] =	wrdreg $0xFFFFFFFF  }
0x25: {  	[dreg:$0x0] =	wrdreg $0x60  }
0x26: {  	[dreg:$0x2] =	wrdreg s25  }
0x27: {  	[dreg:$0x3] =	wrdreg s2  }
0x28: {  	[dreg:$0x4] =	wrdreg $0x9  }
0x29: {  	_ =	task.clear_ibuf [dreg:s7], $0x5FFFF;
	_ =	strace $0x90000049  }
0x2a: {  	s29 =	simm.s32 $0x9;
	_ =	strace $0x8000004B  }
0x2b: {  	_ =	swait.ge [sflag:s29], $0x1  }
0x2c: {  	[sflag:s29] =	ssyncadd.s32 $0xFFFFFFFF  }
0x2d: {  	_ =	strace $0x9000004B  }
0x2e: {  	_ =	sfence  }
0x2f: {  	s30 =	sld [smem:$0x0];
	_ =	sdelay $0x2  }
0x30: {  	s31 =	sshll.u32 s1, $0xD;
	s1 =	sshrl.u32 s1, $0x2  }
0x31: {  	s3 =	sand.u32 $0x4000, s31;
	s1 =	sadd.s32 s1, s30  }
0x32: {  	s0 =	sor.u32 s3, s0;
	s1 =	sshll.u32 s1, $0x11  }
0x33: {  	s0 =	sor.u32 s1, s0  }
0x34: {  	s0 =	sadd.s32 $0x8F2B, s0  }
0x35: {  	[sflag:s0] =	ssyncadd.remote.s32 $0x1  }
0x36: {  	_ =	sfence.sel $0xFFFF  }
0x37: {  	[dreg:$0x0] =	wrdreg $0xFFFFFFFF;
	(pc) =	sbr.abs _section_cstart, $3  }
0x38: {  	[dreg:$0x1] =	wrdreg $0xFFFFFFFF  }
0x39: {  	_ =	task.clear_ibuf [dreg:s7], $0x2FFFF;
	_ =	strace $0x9FFFFFFF  }
0x3a: {  	(tm) =	ssettm $0x7FFFFFFF  }
0x3b: {  	_ =	shalt  }
tec
execute0_lowered:
.L_overlay_start_1:
0x0: {  	(tag) =	ssettag $0x1  }
0x1: {  	s0 =	stileid.u32  }
0x2: {  	s2 =	srdreg.scid;
	s7 =	rddreg [dreg:$0x0]  }
0x3: {  	s6 =	simm.s32 $0x1;
	s31 =	simm.s32 $0x2;
	s16 =	simm.s32 $0x0  }
0x4: {  	s9 =	simm.s32 $0x2000;
	s15 =	simm.s32 $0x0;
	s10 =	simm.s32 $0x0  }
0x5: {  	s11 =	simm.s32 $0x0;
	s14 =	simm.s32 $0x0;
	s1 =	sshll.u32 s0, $0x7  }
0x6: {  	s3 =	sshll.u32 s0, $0x4;
	s2 =	sshll.u32 s2, $0x8;
	s1 =	sand.u32 $0x380, s1  }
0x7: {  	s7 =	sadd.s32 $0xC35800, s7;
	s2 =	sor.u32 s3, s2;
	s5 =	ssub.s32 $0x400, s1  }
0x8: {  	s3 =	rddreg [dreg:$0x1];
	s4 =	sand.u32 $0x180, s2;
	s29 =	sand.u32 $0x380, s5  }
0x9: {  	s30 =	ssub.s32 $0x18680, s4;
	s5 =	sshrl.u32 s5, $0xA;
	p0 =	sne.s32 s29, $0x0  }
.Ltmp0:
0xa: {  	s8 =	sshrl.u32 s30, $0x9;
	s6 =	simm.s32 @!p0 $0x0;
	(pc) =	sbr.rel .LBB1_1-.Ltmp0, $4  }
0xb: {  	s2 =	rddreg [dreg:$0x2];
	s8 =	sadd.s32 $0x1, s8;
	s6 =	sadd.s32 s6, s5  }
0xc: {  	_ =	strace $0x8000004A;
	s5 =	simm.s32 $0x1;
	s6 =	smul.u32 s6, s8  }
0xd: {  	s13 =	smov.u32 s1;
	s12 =	smov.u32 s4;
	[sflag:s5] =	ssyncpa.u1 $0x0  }
0xe: {  	p0 =	por $0x0, $0x0;
	[sflag:s31] =	ssyncpa.u1 $0x0;
	s8 =	sadd.s32 $0x1, s6  }
.LBB1_4:
0xf: {  	s21 =	sshra.s32 s21, $0x2;
	s27 =	sshll.u32 s10, $0xA;
	s22 =	sshll.u32 s11, $0x3  }
0x10: {  	s23 =	sshll.u32 s10, $0x7;
	s24 =	sand.u32 $0x78, s11;
	p1 =	sgt.s32 s10, $0x18620  }
0x11: {  	s25 =	sshra.s32 s10, $0x1F;
	s26 =	sshra.s32 s11, $0x1F;
	s20 =	sadd.s32 s21, s20  }
0x12: {  	v5 =	vld [tilespmem:s18+$0xFFFFFFD0];
	[tilespmem:s19+$0x2040 ss:$0x81] =	vst.msk $0xffff, v4;
	s21 =	sand.u32 $0xFFFFE000, s27;
	s22 =	sand.u32 $0xFFFFFC00, s22;
	s28 =	sand.u32 $0x380, s23  }
0x13: {  	v58 =	vld [tilespmem:s18+$0xFFFFFFE0];
	[tilespmem:s19+$0x2850 ss:$0x81] =	vst.msk $0xffff, v3;
	s23 =	smov.u32 s10;
	s30 =	sand.u32 s25, s10;
	s25 =	smov.u32 s11  }
0x14: {  	v59 =	vld [tilespmem:s18+$0xFFFFFFF0];
	[tilespmem:s19+$0x3060 ss:$0x81] =	vst.msk $0xffff, v2;
	s31 =	sand.u32 s26, s11;
	s21 =	sadd.s32 s22, s21;
	s22 =	sor.u32 s24, s28  }
0x15: {  	v60 =	vld [tilespmem:s18+$0x0];
	[tilespmem:s19+$0x0 ss:$0x81] =	vst.msk $0xffff, v1;
	s23 =	simm.s32 @!p1 $0x18620;
	p1 =	sgt.s32 s11, $0x380;
	s21 =	sshrl.u32 s21, $0xA  }
0x16: {  	v61 =	vld [tilespmem:s18+$0x10];
	[tilespmem:s20+$0x3870 ss:$0x81] =	vst.msk $0xffff, v0;
	s19 =	ssub.s32 s23, s30;
	s25 =	simm.s32 @!p1 $0x380;
	s29 =	smulhi.u32 $0x53E2D7, s21  }
0x17: {  	v62 =	vld [tilespmem:s18+$0x20];
	s23 =	ssub.s32 s25, s31;
	s26 =	sadd.s32 $0xFFFE79E0, s19;
	s19 =	ssub.s32 $0x186A0, s19;
	[tilespmem:s20+$0x810 ss:$0x81] =	vst.msk $0xffff, v5  }
0x18: {  	v63 =	vld [tilespmem:s18+$0xFFFFFFC0];
	[tilespmem:s20+$0x1020 ss:$0x81] =	vst.msk $0xffff, v58;
	p1 =	sgt.s32 s26, $0x7F;
	s28 =	sadd.s32 $0xFFFFFC80, s23;
	s24 =	sshrl.u32 s29, $0x7  }
0x19: {  	[tilespmem:s20+$0x1830 ss:$0x81] =	vst.msk $0xffff, v59;
	s23 =	ssub.s32 $0x400, s23;
	p2 =	sgt.s32 s28, $0x7F;
	s27 =	smul.u32 $0x186A0, s24  }
0x1a: {  	s30 =	sand.u32 $0x7, s11;
	[tilespmem:s20+$0x2040 ss:$0x81] =	vst.msk $0xffff, v60;
	s19 =	simm.s32 @p1 $0x0;
	s23 =	simm.s32 @p2 $0x0  }
0x1b: {  	[tilespmem:s20+$0x2850 ss:$0x81] =	vst.msk $0xffff, v61;
	s29 =	sshrl.u32 s22, $0x3;
	s19 =	smul.u32 s23, s19;
	s18 =	ssub.s32 s21, s27  }
0x1c: {  	[tilespmem:s20+$0x3060 ss:$0x81] =	vst.msk $0xffff, v62;
	s22 =	sshll.u32 s30, $0x12;
	s21 =	sadd.s32 s3, s29;
	s18 =	sshll.u32 s18, $0x7  }
0x1d: {  	[tilespmem:s20+$0x0 ss:$0x81] =	vst.msk $0xffff, v63;
	s31 =	sor.u32 $0x400, s22;
	s19 =	sand.u32 $0x3FFFFFFF, s19;
	s18 =	sadd.s32 s18, s21  }
0x1e: {  	[hbm4b:s18+s31] =	stream.strided.scatter [tilespmem:s17], [sflag:$0x2], s19, s9, s31, $0x20;
	[tilespmem:$0x10100] =	vst v63  }
.LBB1_5:
0x1f: {  	p1 =	slt.u32 s14, $0x2  }
0x20: {  	s18 =	smov.u32 s16;
	p2 =	sgt.s32 @!p1 s16, $0x18620;
	s17 =	sshra.s32 @!p1 s16, $0x1F  }
0x21: {  	p3 =	sgt.s32 @!p1 s15, $0x380;
	s19 =	sshra.s32 @!p1 s15, $0x1F;
	p2 =	por !p2, p1  }
0x22: {  	s16 =	sand.u32 @!p1 s17, s16;
	p3 =	por !p3, p1;
	s17 =	smov.u32 s15  }
0x23: {  	s15 =	sand.u32 @!p1 s19, s15;
	s18 =	simm.s32 @p2 $0x18620;
	s17 =	simm.s32 @p3 $0x380  }
0x24: {  	s16 =	ssub.s32 @!p1 s18, s16;
	s15 =	ssub.s32 @!p1 s17, s15  }
0x25: {  	s19 =	smov.u32 s13;
	s17 =	sadd.s32 @!p1 $0xFFFE79E0, s16;
	s18 =	sadd.s32 @!p1 $0xFFFFFC80, s15  }
0x26: {  	s16 =	ssub.s32 @!p1 $0x186A0, s16;
	p2 =	sgt.s32 @!p1 s17, $0x7F;
	p3 =	sgt.s32 @!p1 s18, $0x7F  }
0x27: {  	s15 =	ssub.s32 @!p1 $0x400, s15;
	p2 =	por !p2, p1;
	p3 =	por !p3, p1  }
0x28: {  	s17 =	sadd.s32 $0x200, s12;
	s16 =	simm.s32 @!p2 $0x0;
	s15 =	simm.s32 @!p3 $0x0  }
0x29: {  	p2 =	sgt.s32 s17, $0x1869F;
	s15 =	smul.u32 @!p1 s15, s16;
	s16 =	sadd.s32 $0x400, s13  }
0x2a: {  	s19 =	smov.u32 @p2 s16  }
0x2b: {  	s17 =	smov.u32 @p2 s4;
	p2 =	sgt.s32 s19, $0x3FF  }
0x2c: {  	s19 =	smov.u32 @p2 s1;
	p2 =	sne.s32 s14, s8  }
.Ltmp1:
0x2d: {  	p0 =	por !p0, !p0;
	s18 =	simm.s32 @!p1 $0x2;
	(pc) =	sbr.rel @!p2 .LBB1_6-.Ltmp1, $4  }
0x2e: {  	s16 =	smov.u32 s10;
	s10 =	smov.u32 s12;
	s15 =	sand.u32 @!p1 $0x3FFFFFFF, s15  }
0x2f: {  	s12 =	smov.u32 s17;
	_ =	swait.ge @!p1 [sflag:s18], s15;
	s20 =	ssub.s32 @!p1 $0x0, s15  }
0x30: {  	s15 =	smov.u32 s11;
	s14 =	sadd.s32 $0x1, s14;
	[sflag:s18] =	ssyncset.done @!p1 $0x0  }
0x31: {  	s11 =	smov.u32 s13;
	s13 =	smov.u32 s19;
	[sflag:s18] =	ssyncadd.s32 @!p1 s20  }
.LBB1_1:
0x32: {  	p1 =	sge.u32 s14, s6  }
0x33: {  	s17 =	sshrl.u32 @!p1 s13, $0x3  }
0x34: {  	s18 =	sshll.u32 @!p1 s12, $0x3;
	s17 =	smul.u32 @!p1 $0xC3800, s17  }
0x35: {  	s19 =	sshll.u32 @!p1 s13, $0x7;
	s18 =	sand.u32 @!p1 $0xFFFFFC00, s18  }
0x36: {  	s17 =	sadd.s32 @!p1 s17, s18;
	s18 =	sand.u32 @!p1 $0x380, s19  }
0x37: {  	s19 =	sand.u32 @!p1 $0x7F, s12;
	s17 =	sor.u32 @!p1 s18, s17  }
0x38: {  	s18 =	sor.u32 @!p1 s19, s17  }
0x39: {  	s19 =	smulhi.u32 @!p1 $0xA79C7B17, s18;
	_ =	sdelay $0x1  }
0x3a: {  	s17 =	smulhi.u32 @!p1 $0xA79C7B17, s17;
	s19 =	sshrl.u32 @!p1 s19, $0x10  }
0x3b: {  	s19 =	smul.u32 @!p1 $0x18700, s19  }
0x3c: {  	s31 =	sadd.s32 $0xFFFFFFFF, s14;
	s20 =	sxor.u32 @!p1 $0xFFFFFFFF, s14;
	s17 =	sshrl.u32 @!p1 s17, $0x10  }
0x3d: {  	s20 =	sshll.u32 @!p1 s20, $0xE;
	s17 =	sand.u32 @!p1 $0x3FF, s17;
	s18 =	ssub.s32 @!p1 s18, s19  }
0x3e: {  	s17 =	smul.u32 @!p1 $0x30E0, s17;
	s19 =	sshrl.u32 @!p1 s18, $0x3;
	s18 =	sand.u32 @!p1 $0x7, s18  }
0x3f: {  	s20 =	sand.u32 @!p1 $0x4000, s20;
	s19 =	sadd.s32 @!p1 s7, s19;
	s18 =	sshll.u32 @!p1 s18, $0x12  }
0x40: {  	s17 =	sadd.s32 @!p1 s17, s19;
	s18 =	sor.u32 @!p1 $0x400, s18;
	s19 =	simm.s32 @!p1 $0xC3800  }
0x41: {  	[tilespmem:s20], [sflag:$0x1] =	stream.strided.gather @!p1 [hbm4b:s17+s18], $0x4000, s19, s18, $0x38;
	[tilespmem:$0x10100] =	vst v63  }
0x42: {  	p1 =	sge.u32 s31, s6  }
.Ltmp2:
0x43: {  	_ = 	snop;
	(pc) =	sbr.rel @p1 .LBB1_5-.Ltmp2, $1  }
0x44: {  	_ =	sdelay $0x3  }
0x45: {  	s17 =	simm.s32 $0x1  }
0x46: {  	_ =	swait.ge [sflag:s5], $0x4000;
	s17 =	simm.s32 @!p0 $0x0  }
0x47: {  	[sflag:s5] =	ssyncset.done $0x0;
	s18 =	sshll.u32 s17, $0xE  }
0x48: {  	[sflag:s5] =	ssyncadd.s32 $0xFFFFC000;
	s18 =	sor.u32 $0x40, s18  }
0x49: {  	s17 =	smul.u32 $0x10200, s17;
	v0 =	vld [tilespmem:s18+$0x30]  }
0x4a: {  	v1 =	vld [tilespmem:s18+$0xFFFFFFD0]  }
0x4b: {  	s17 =	sshrl.u32 s17, $0x2;
	v5 =	vld [tilespmem:s18+$0xFFFFFFE0]  }
0x4c: {  	v6 =	vld [tilespmem:s18+$0xFFFFFFF0];
	s20 =	sor.u32 $0x8000, s17  }
0x4d: {  	s31 =	sand.u32 $0x1, s14;
	v4 =	vld [tilespmem:s18+$0x0];
	s19 =	sadd.s32 $0x0, s20  }
0x4e: {  	v3 =	vld [tilespmem:s18+$0x10];
	s17 =	smul.u32 $0x10200, s31;
	[tilespmem:s19+$0x3870 ss:$0x81] =	vst.msk $0xffff, v0  }
0x4f: {  	v2 =	vld [tilespmem:s18+$0x20];
	[tilespmem:s19+$0x810 ss:$0x81] =	vst.msk $0xffff, v1  }
0x50: {  	s17 =	sshrl.u32 s17, $0x2;
	v1 =	vld [tilespmem:s18+$0xFFFFFFC0];
	[tilespmem:s19+$0x1020 ss:$0x81] =	vst.msk $0xffff, v5;
	s18 =	sadd.s32 $0x80, s18  }
0x51: {  	s21 =	simm.s32 $0x4;
	s22 =	simm.s32 $0x8;
	s17 =	sor.u32 $0x8000, s17;
	[tilespmem:s19+$0x1830 ss:$0x81] =	vst.msk $0xffff, v6;
	v0 =	vld [tilespmem:s18+$0x30]  }
.LBB1_3:
0x52: {  	p1 =	sne.s32 s22, $0x1FC;
	v5 =	vld [tilespmem:s18+$0xFFFFFFD0];
	[tilespmem:s19+$0x2040 ss:$0x81] =	vst.msk $0xffff, v4  }
0x53: {  	v6 =	vld [tilespmem:s18+$0xFFFFFFE0];
	[tilespmem:s19+$0x2850 ss:$0x81] =	vst.msk $0xffff, v3  }
0x54: {  	s23 =	sshra.s32 s21, $0x2;
	s21 =	smov.u32 s22;
	v7 =	vld [tilespmem:s18+$0xFFFFFFF0];
	[tilespmem:s19+$0x3060 ss:$0x81] =	vst.msk $0xffff, v2  }
.Ltmp3:
0x55: {  	v4 =	vld [tilespmem:s18+$0x0];
	[tilespmem:s19+$0x0 ss:$0x81] =	vst.msk $0xffff, v1;
	s19 =	sadd.s32 s23, s20;
	(pc) =	sbr.rel @p1 .LBB1_3-.Ltmp3, $4  }
0x56: {  	v3 =	vld [tilespmem:s18+$0x10];
	[tilespmem:s19+$0x3870 ss:$0x81] =	vst.msk $0xffff, v0  }
0x57: {  	[tilespmem:s19+$0x810 ss:$0x81] =	vst.msk $0xffff, v5;
	v2 =	vld [tilespmem:s18+$0x20]  }
0x58: {  	v1 =	vld [tilespmem:s18+$0xFFFFFFC0];
	[tilespmem:s19+$0x1020 ss:$0x81] =	vst.msk $0xffff, v6;
	s18 =	sadd.s32 $0x80, s18  }
0x59: {  	s22 =	sadd.s32 $0x4, s22;
	v0 =	vld [tilespmem:s18+$0x30];
	[tilespmem:s19+$0x1830 ss:$0x81] =	vst.msk $0xffff, v7  }
.Ltmp4:
0x5a: {  	_ = 	snop;
	(pc) =	sbr.rel .LBB1_4-.Ltmp4, $1  }
0x5b: {  	_ =	sdelay $0x3  }
.LBB1_6:
0x5c: {  	_ =	sfence.sel $0x180000  }
0x5d: {  	s1 =	simm.s32 $0x1;
	[bflag:$0x0] =	sbarrier.arrive $0xFFFF  }
0x5e: {  	s31 =	simm.s32 $0x2;
	[sflag:s1] =	ssyncpa.u1 $0x1  }
0x5f: {  	[sflag:s31] =	ssyncpa.u1 $0x1  }
0x60: {  	p0 =	sne.s32 s0, $0x0;
	_ =	strace $0x9000004A  }
0x61: {  	s0 =	sadd.s32 @!p0 $0x100000, s2;
	[bflag:$0x2] =	sbarrier.arrive $0xFFFF  }
0x62: {  	[sflag:s0] =	ssyncadd.tile.s32 @!p0 $0x1;
	_ =	shalt  }
.Lfunc_end1:
_tile_overlayer_lowered:
.L_overlay_start_2:
0x63: {  	(tag) =	ssettag $0x2  }
0x64: {  	s0 =	rddreg [dreg:$0x0];
	s2 =	stileid.u32  }
0x65: {  	s1 =	rddreg [dreg:$0x1];
	p0 =	sne.s32 s2, $0x0  }
0x66: {  	s3 =	rddreg [dreg:$0x2];
	[bflag:$0x3] =	sbarrier.arrive $0xFFFF;
	s2 =	simm.s32 @!p0 $0x1C01  }
0x67: {  	[timem:s3], [sflag:s2] =	dma.local @!p0 [hbm:s0], s1  }
0x68: {  	s0 =	simm.s32 @!p0 $0x1  }
0x69: {  	_ =	swait.ge @!p0 [sflag:s0], s1  }
0x6a: {  	s1 =	ssub.s32 @!p0 $0x0, s1;
	[sflag:s0] =	ssyncset.done @!p0 $0x0  }
0x6b: {  	[sflag:s0] =	ssyncadd.s32 @!p0 s1  }
0x6c: {  	[bflag:$0x3] =	sbarrier.arrive $0xFFFF  }
0x6d: {  	_ =	shalt  }

</sc_bundles>
